<compile_context>
chip_gen: v7x
topology: tpu7x:2x2x1
jax: 0.10.2.dev20260603
libtpu: 0.0.44.dev20260713+nightly
codegen_flags: <defaults>
</compile_context>

<pallas_src>
import functools

import jax
import jax.numpy as jnp
from jax import lax
from jax.experimental import pallas as pl
from jax.experimental.pallas import tpu as pltpu
from jax.experimental.pallas import tpu_sc as plsc

N = 10000
E = 320000
DIN = 128
H = 128

_NC = 2
_NS = 16
_C = 128
_K = 160
_EP = _NS * _K * _C
_NPAD = 10112
_RPT = _NPAD // _NS
_ORT = 624
_TAIL = N - _NS * _ORT

_sc_mesh = plsc.VectorSubcoreMesh(core_axis_name="c", subcore_axis_name="s")



def _sc_deg_body(dst_hbm, zacc_hbm, ones_hbm, deg_hbm,
                 da, db, ones_v, acc_sh, semia, semib, semsa, semsb):
    c = lax.axis_index("c")
    s = lax.axis_index("s")
    tile = c * _NS + s
    ebase = tile * _K * _C

    def idx_start(j, dref, sem):
        pltpu.async_copy(dst_hbm.at[pl.ds(ebase + j * _C, _C)], dref, sem)

    def idx_wait(dref, sem):
        pltpu.make_async_copy(dst_hbm.at[pl.ds(ebase, _C)], dref, sem).wait()

    pltpu.sync_copy(zacc_hbm, acc_sh.at[pl.ds(s * _RPT, _RPT)])
    pltpu.sync_copy(ones_hbm, ones_v)
    idx_start(0, da, semia)
    idx_start(1, db, semib)
    plsc.subcore_barrier()

    def body(i, carry):
        ja = 2 * i
        idx_wait(da, semia)
        pltpu.async_copy(ones_v, acc_sh.at[da], semsa, add=True)
        idx_wait(db, semib)
        pltpu.async_copy(ones_v, acc_sh.at[db], semsb, add=True)
        pltpu.make_async_copy(ones_v, acc_sh.at[da], semsa).wait()

        @pl.when(ja + 2 < _K)
        def _():
            idx_start(ja + 2, da, semia)

        pltpu.make_async_copy(ones_v, acc_sh.at[db], semsb).wait()

        @pl.when(ja + 3 < _K)
        def _():
            idx_start(ja + 3, db, semib)

        return carry

    lax.fori_loop(0, _K // 2, body, 0)
    plsc.subcore_barrier()
    base = c * N + s * _ORT
    pltpu.sync_copy(acc_sh.at[pl.ds(s * _ORT, _ORT)],
                    deg_hbm.at[pl.ds(base, _ORT)])

    @pl.when(s == _NS - 1)
    def _copy_tail():
        pltpu.sync_copy(acc_sh.at[pl.ds(_NS * _ORT, _TAIL)],
                        deg_hbm.at[pl.ds(c * N + _NS * _ORT, _TAIL)])


def _sc_agg_body(y_hbm, src_hbm, dst_hbm, zacc_hbm,
                 out_hbm,
                 sa, da, sb, db, ra, rb, acc_sh,
                 semia, semib, semga, semgb, semsa, semsb):
    c = lax.axis_index("c")
    s = lax.axis_index("s")
    tile = c * _NS + s
    ebase = tile * _K * _C

    def idx_start(j, sref, dref, sem):
        pltpu.async_copy(src_hbm.at[pl.ds(ebase + j * _C, _C)], sref, sem)
        pltpu.async_copy(dst_hbm.at[pl.ds(ebase + j * _C, _C)], dref, sem)

    def idx_wait(sref, dref, sem):
        pltpu.make_async_copy(src_hbm.at[pl.ds(ebase, _C)], sref, sem).wait()
        pltpu.make_async_copy(dst_hbm.at[pl.ds(ebase, _C)], dref, sem).wait()

    pltpu.sync_copy(zacc_hbm, acc_sh.at[pl.ds(s * _RPT, _RPT)])
    idx_start(0, sa, da, semia)
    idx_start(1, sb, db, semib)
    plsc.subcore_barrier()

    def body(i, carry):
        ja = 2 * i
        idx_wait(sa, da, semia)
        pltpu.async_copy(y_hbm.at[sa], ra, semga)
        idx_wait(sb, db, semib)
        pltpu.async_copy(y_hbm.at[sb], rb, semgb)
        pltpu.make_async_copy(y_hbm.at[sa], ra, semga).wait()
        pltpu.async_copy(ra, acc_sh.at[da], semsa, add=True)
        pltpu.make_async_copy(y_hbm.at[sb], rb, semgb).wait()
        pltpu.async_copy(rb, acc_sh.at[db], semsb, add=True)
        pltpu.make_async_copy(ra, acc_sh.at[da], semsa).wait()

        @pl.when(ja + 2 < _K)
        def _():
            idx_start(ja + 2, sa, da, semia)

        pltpu.make_async_copy(rb, acc_sh.at[db], semsb).wait()

        @pl.when(ja + 3 < _K)
        def _():
            idx_start(ja + 3, sb, db, semib)

        return carry

    lax.fori_loop(0, _K // 2, body, 0)
    plsc.subcore_barrier()
    base = c * N + s * _ORT
    pltpu.sync_copy(acc_sh.at[pl.ds(s * _ORT, _ORT)],
                    out_hbm.at[pl.ds(base, _ORT)])

    @pl.when(s == _NS - 1)
    def _copy_tail():
        pltpu.sync_copy(acc_sh.at[pl.ds(_NS * _ORT, _TAIL)],
                        out_hbm.at[pl.ds(c * N + _NS * _ORT, _TAIL)])


_sc_deg = pl.kernel(
    _sc_deg_body,
    out_type=jax.ShapeDtypeStruct((2 * N, H), jnp.float32),
    mesh=_sc_mesh,
    scratch_types=[
        pltpu.VMEM((_C,), jnp.int32),
        pltpu.VMEM((_C,), jnp.int32),
        pltpu.VMEM((_C, H), jnp.float32),
        pltpu.VMEM_SHARED((_NPAD, H), jnp.float32),
        pltpu.SemaphoreType.DMA,
        pltpu.SemaphoreType.DMA,
        pltpu.SemaphoreType.DMA,
        pltpu.SemaphoreType.DMA,
    ],
)

_sc_agg = pl.kernel(
    _sc_agg_body,
    out_type=jax.ShapeDtypeStruct((2 * N, H), jnp.float32),
    mesh=_sc_mesh,
    scratch_types=[
        pltpu.VMEM((_C,), jnp.int32),
        pltpu.VMEM((_C,), jnp.int32),
        pltpu.VMEM((_C,), jnp.int32),
        pltpu.VMEM((_C,), jnp.int32),
        pltpu.VMEM((_C, H), jnp.float32),
        pltpu.VMEM((_C, H), jnp.float32),
        pltpu.VMEM_SHARED((_NPAD, H), jnp.float32),
        pltpu.SemaphoreType.DMA,
        pltpu.SemaphoreType.DMA,
        pltpu.SemaphoreType.DMA,
        pltpu.SemaphoreType.DMA,
        pltpu.SemaphoreType.DMA,
        pltpu.SemaphoreType.DMA,
    ],
)



def _tc1_body(x_ref, wi_ref, bi_ref, w1_ref, y_ref):
    h0 = jnp.dot(x_ref[...], wi_ref[...],
                 preferred_element_type=jnp.float32) + bi_ref[...]
    y_ref[...] = jnp.dot(h0, w1_ref[...], preferred_element_type=jnp.float32)


def _tc1(x_all, w_init, b_init, w1):
    blk = 2000
    grid = (2 * N) // blk
    return pl.pallas_call(
        _tc1_body,
        grid=(grid,),
        in_specs=[
            pl.BlockSpec((blk, DIN), lambda g: (g, 0)),
            pl.BlockSpec((DIN, H), lambda g: (0, 0)),
            pl.BlockSpec((1, H), lambda g: (0, 0)),
            pl.BlockSpec((H, H), lambda g: (0, 0)),
        ],
        out_specs=pl.BlockSpec((blk, H), lambda g: (g, 0)),
        out_shape=jax.ShapeDtypeStruct((2 * N, H), jnp.float32),
    )(x_all, w_init, b_init, w1)


def _bn_relu(z, gamma, beta):
    m = jnp.mean(z, axis=0, keepdims=True)
    v = jnp.mean((z - m) ** 2, axis=0, keepdims=True)
    return jnp.maximum(gamma * (z - m) * lax.rsqrt(v + 1e-5) + beta, 0.0)


def _tc2_body(y_ref, s_ref, deg_ref, b_ref, g_ref, bb_ref, w2_ref, y2_ref):
    inv = 1.0 / jnp.maximum(deg_ref[0, :, 0:1], 1.0)
    z = y_ref[0] + s_ref[0] * inv + b_ref[...]
    h = _bn_relu(z, g_ref[...], bb_ref[...])
    y2_ref[0] = jnp.dot(h, w2_ref[...], preferred_element_type=jnp.float32)


def _tc2(y1, s1, deg, b1, g1, bb1, w2):
    return pl.pallas_call(
        _tc2_body,
        grid=(2,),
        in_specs=[
            pl.BlockSpec((1, N, H), lambda g: (g, 0, 0)),
            pl.BlockSpec((1, N, H), lambda g: (g, 0, 0)),
            pl.BlockSpec((1, N, H), lambda g: (g, 0, 0)),
            pl.BlockSpec((1, H), lambda g: (0, 0)),
            pl.BlockSpec((1, H), lambda g: (0, 0)),
            pl.BlockSpec((1, H), lambda g: (0, 0)),
            pl.BlockSpec((H, H), lambda g: (0, 0)),
        ],
        out_specs=pl.BlockSpec((1, N, H), lambda g: (g, 0, 0)),
        out_shape=jax.ShapeDtypeStruct((2, N, H), jnp.float32),
    )(y1, s1, deg, b1, g1, bb1, w2)


def _tc3_body(y_ref, s_ref, deg_ref, b_ref, g_ref, bb_ref,
              wfc_ref, bfc_ref, wfc2_ref, bfc2_ref, out_ref):
    embs = []
    for g in range(2):
        inv = 1.0 / jnp.maximum(deg_ref[g, :, 0:1], 1.0)
        z = y_ref[g] + s_ref[g] * inv + b_ref[...]
        h = _bn_relu(z, g_ref[...], bb_ref[...])
        embs.append(jnp.mean(h, axis=0, keepdims=True))
    cat = jnp.concatenate(embs, axis=1)
    t = jnp.maximum(jnp.dot(cat, wfc_ref[...],
                            preferred_element_type=jnp.float32) + bfc_ref[...],
                    0.0)
    out_ref[...] = jax.nn.sigmoid(
        jnp.dot(t, wfc2_ref[...], preferred_element_type=jnp.float32)
        + bfc2_ref[...])


def _tc3(y2, s2, deg, b2, g2, bb2, w_fc, b_fc, w_fc2, b_fc2):
    return pl.pallas_call(
        _tc3_body,
        out_shape=jax.ShapeDtypeStruct((1, 1), jnp.float32),
    )(y2, s2, deg, b2, g2, bb2, w_fc, b_fc, w_fc2, b_fc2)



def _prep_edges(edge_index, offset):
    src = edge_index[0]
    dst = edge_index[1]
    pad = _EP - E
    ar = jnp.arange(pad, dtype=jnp.int32)
    srcp = jnp.concatenate([src + offset, ar % N + offset])
    dstp = jnp.concatenate([dst, ar % (_NPAD - N) + N])
    return srcp, dstp


def kernel(x1, edge_index1, x2, edge_index2, W_init, b_init, W1, b1, W2, b2,
           bn1_g, bn1_b, bn2_g, bn2_b, W_fc, b_fc, W_fc2, b_fc2):
    x_all = jnp.concatenate([x1, x2], axis=0)
    src1, dst1 = _prep_edges(edge_index1, 0)
    src2, dst2 = _prep_edges(edge_index2, N)
    src_all = jnp.concatenate([src1, src2])
    dst_all = jnp.concatenate([dst1, dst2])

    zacc = jnp.zeros((_RPT, H), jnp.float32)
    ones = jnp.ones((_C, H), jnp.float32)

    b_init_r = b_init[None, :]
    b1_r = b1[None, :]
    b2_r = b2[None, :]
    bn1_g_r = bn1_g[None, :]
    bn1_b_r = bn1_b[None, :]
    bn2_g_r = bn2_g[None, :]
    bn2_b_r = bn2_b[None, :]
    b_fc_r = b_fc[None, :]
    b_fc2_r = b_fc2[None, :]

    degf = _sc_deg(dst_all, zacc, ones)
    y1 = _tc1(x_all, W_init, b_init_r, W1)
    s1 = _sc_agg(y1, src_all, dst_all, zacc)
    deg3 = degf.reshape(2, N, H)
    y2 = _tc2(y1.reshape(2, N, H), s1.reshape(2, N, H), deg3,
              b1_r, bn1_g_r, bn1_b_r, W2)
    s2 = _sc_agg(y2.reshape(2 * N, H), src_all, dst_all, zacc)
    out = _tc3(y2, s2.reshape(2, N, H), deg3,
               b2_r, bn2_g_r, bn2_b_r, W_fc, b_fc_r, W_fc2, b_fc2_r)
    return out

# --- scband reference (transcript-rebuilt; emitter-appended) ---
"""Pipeline reference for scband-cross-graph-model-25872882991238 (READ-ONLY COPY).

The authoritative reference and input builder live on the scoring server;
editing this copy changes nothing except your own understanding.
"""

import jax, jax.numpy as jnp
import numpy as np

N = 10000
E = 320000
DIN = 128
H = 128


def _gin_mean(x, src, dst, W, b):
    # DGL GINConv with aggregator 'mean' and eps=0:
    # out = Linear(x + mean_{neighbors} x_src)
    msg = jnp.take(x, src, axis=0)
    s = jax.ops.segment_sum(msg, dst, num_segments=N)
    deg = jax.ops.segment_sum(jnp.ones((src.shape[0], 1), x.dtype), dst, num_segments=N)
    agg = s / jnp.maximum(deg, 1.0)
    return (x + agg) @ W + b


def _bn(x, gamma, beta):
    # BatchNorm1d in training mode: per-batch statistics over nodes
    m = jnp.mean(x, axis=0)
    v = jnp.var(x, axis=0)
    return gamma * (x - m) / jnp.sqrt(v + 1e-5) + beta


def _encode(x, src, dst, W_init, b_init, W1, b1, W2, b2, bn1_g, bn1_b, bn2_g, bn2_b):
    h0 = x @ W_init + b_init
    h1 = jax.nn.relu(_bn(_gin_mean(h0, src, dst, W1, b1), bn1_g, bn1_b))
    h2 = jax.nn.relu(_bn(_gin_mean(h1, src, dst, W2, b2), bn2_g, bn2_b))
    return jnp.mean(h2, axis=0, keepdims=True)  # dgl.mean_nodes, single graph


def setup_inputs(seed: int = 0):
    key = jax.random.key(seed)
    ks = jax.random.split(key, 20)
    inp = {}
    inp["x1"] = jax.random.normal(ks[0], (N, DIN), dtype=jnp.float32)
    inp["edge_index1"] = jax.random.randint(ks[1], (2, E), 0, N)
    inp["x2"] = jax.random.normal(ks[2], (N, DIN), dtype=jnp.float32)
    inp["edge_index2"] = jax.random.randint(ks[3], (2, E), 0, N)
    sc_in = 1.0 / np.sqrt(DIN)
    sc_h = 1.0 / np.sqrt(H)
    sc_cat = 1.0 / np.sqrt(2 * H)
    sc_fc = 1.0 / np.sqrt(256)
    inp["W_init"] = jax.random.uniform(ks[4], (DIN, H), jnp.float32, -sc_in, sc_in)
    inp["b_init"] = jax.random.uniform(ks[5], (H,), jnp.float32, -sc_in, sc_in)
    inp["W1"] = jax.random.uniform(ks[6], (H, H), jnp.float32, -sc_h, sc_h)
    inp["b1"] = jax.random.uniform(ks[7], (H,), jnp.float32, -sc_h, sc_h)
    inp["W2"] = jax.random.uniform(ks[8], (H, H), jnp.float32, -sc_h, sc_h)
    inp["b2"] = jax.random.uniform(ks[9], (H,), jnp.float32, -sc_h, sc_h)
    inp["bn1_g"] = jnp.ones((H,), jnp.float32)
    inp["bn1_b"] = jnp.zeros((H,), jnp.float32)
    inp["bn2_g"] = jnp.ones((H,), jnp.float32)
    inp["bn2_b"] = jnp.zeros((H,), jnp.float32)
    inp["W_fc"] = jax.random.uniform(ks[10], (2 * H, 256), jnp.float32, -sc_cat, sc_cat)
    inp["b_fc"] = jax.random.uniform(ks[11], (256,), jnp.float32, -sc_cat, sc_cat)
    inp["W_fc2"] = jax.random.uniform(ks[12], (256, 1), jnp.float32, -sc_fc, sc_fc)
    inp["b_fc2"] = jax.random.uniform(ks[13], (1,), jnp.float32, -sc_fc, sc_fc)
    return inp


def reference(x1, edge_index1, x2, edge_index2, W_init, b_init, W1, b1, W2, b2,
              bn1_g, bn1_b, bn2_g, bn2_b, W_fc, b_fc, W_fc2, b_fc2):
    g1_emb = _encode(x1, edge_index1[0], edge_index1[1], W_init, b_init, W1, b1, W2, b2,
                     bn1_g, bn1_b, bn2_g, bn2_b)
    g2_emb = _encode(x2, edge_index2[0], edge_index2[1], W_init, b_init, W1, b1, W2, b2,
                     bn1_g, bn1_b, bn2_g, bn2_b)
    x = jnp.concatenate([g1_emb, g2_emb], axis=1)
    x = jax.nn.relu(x @ W_fc + b_fc)
    out = jax.nn.sigmoid(x @ W_fc2 + b_fc2)
    return out

if __name__ == "__main__":
    import jax
    _d = setup_inputs()
    print(jax.jit(kernel)(*tuple(_d.values())))

</pallas_src>

<mosaic_0001>
#map = affine_map<(d0, d1) -> (0, 0)>
#map1 = affine_map<(d0, d1) -> (0)>
module attributes {stable_mosaic.version = 14 : i64} {
  func.func @_sc_agg_body(%arg0: i32, %arg1: i32, %arg2: memref<20000x128xf32, #tpu.memory_space<hbm>>, %arg3: memref<655360xi32, #tpu.memory_space<hbm>>, %arg4: memref<655360xi32, #tpu.memory_space<hbm>>, %arg5: memref<632x128xf32, #tpu.memory_space<hbm>>, %arg6: memref<20000x128xf32, #tpu.memory_space<hbm>>, %arg7: memref<128xi32, #tpu.memory_space<vmem>>, %arg8: memref<128xi32, #tpu.memory_space<vmem>>, %arg9: memref<128xi32, #tpu.memory_space<vmem>>, %arg10: memref<128xi32, #tpu.memory_space<vmem>>, %arg11: memref<128x128xf32, #tpu.memory_space<vmem>>, %arg12: memref<128x128xf32, #tpu.memory_space<vmem>>, %arg13: memref<10112x128xf32, #tpu.memory_space<vmem_shared>>, %arg14: memref<!tpu.dma_semaphore, #tpu.memory_space<semaphore_mem>>, %arg15: memref<!tpu.dma_semaphore, #tpu.memory_space<semaphore_mem>>, %arg16: memref<!tpu.dma_semaphore, #tpu.memory_space<semaphore_mem>>, %arg17: memref<!tpu.dma_semaphore, #tpu.memory_space<semaphore_mem>>, %arg18: memref<!tpu.dma_semaphore, #tpu.memory_space<semaphore_mem>>, %arg19: memref<!tpu.dma_semaphore, #tpu.memory_space<semaphore_mem>>) attributes {dimension_semantics = [#tpu.dimension_semantics<core_parallel>, #tpu.dimension_semantics<subcore_parallel>], iteration_bounds = array<i64: 2, 16>, scalar_prefetch = 0 : i64, scratch_operands = 13 : i64, tpu.core_type = #tpu.core_type<sc_vector_subcore>, window_params = [{transform_indices = #map}, {transform_indices = #map1}, {transform_indices = #map1}, {transform_indices = #map}, {transform_indices = #map}]} {
    %mul3A = arith.constant 16 : i32
    %mul3A_0 = arith.muli %arg0, %mul3A : i32
    %add3A = arith.addi %mul3A_0, %arg1 : i32
    %mul3A_1 = arith.constant 160 : i32
    %mul3A_2 = arith.muli %add3A, %mul3A_1 : i32
    %mul3A_3 = arith.constant 128 : i32
    %mul3A_4 = arith.muli %mul3A_2, %mul3A_3 : i32
    %mul3A_5 = arith.constant 632 : i32
    %mul3A_6 = arith.muli %arg1, %mul3A_5 : i32
    "tpu.region"() ({
      %run_scoped3A = tpu.sem_alloc : memref<!tpu.dma_semaphore, #tpu.memory_space<semaphore_mem>>
      %dma_start3A_37 = arith.constant 0 : i32
      %dma_start3A_38 = tpu.memref_slice %arg13[%mul3A_6, %dma_start3A_37] : memref<10112x128xf32, #tpu.memory_space<vmem_shared>> -> memref<632x128xf32, #tpu.memory_space<vmem_shared>>
      tpu.enqueue_dma source(%arg5 : memref<632x128xf32, #tpu.memory_space<hbm>>) target(%dma_start3A_38 : memref<632x128xf32, #tpu.memory_space<vmem_shared>>) target_semaphore(%run_scoped3A : memref<!tpu.dma_semaphore, #tpu.memory_space<semaphore_mem>>)
      %dma_wait3A = arith.constant 0 : i32
      %dma_wait3A_39 = tpu.memref_slice %arg13[%mul3A_6, %dma_wait3A] : memref<10112x128xf32, #tpu.memory_space<vmem_shared>> -> memref<632x128xf32, #tpu.memory_space<vmem_shared>>
      tpu.wait_dma2 semaphore(%run_scoped3A : memref<!tpu.dma_semaphore, #tpu.memory_space<semaphore_mem>>) src(%arg5 : memref<632x128xf32, #tpu.memory_space<hbm>>) dst(%dma_wait3A_39 : memref<632x128xf32, #tpu.memory_space<vmem_shared>>)
      tpu.yield
    }) : () -> ()
    %add3A_7 = arith.constant 0 : i32
    %add3A_8 = arith.addi %mul3A_4, %add3A_7 : i32
    %dma_start3A = tpu.memref_slice %arg3[%add3A_8] : memref<655360xi32, #tpu.memory_space<hbm>> -> memref<128xi32, #tpu.memory_space<hbm>>
    %dma_start3A_9 = tpu.memref_slice %arg3[%add3A_8] : memref<655360xi32, #tpu.memory_space<hbm>> -> memref<128xi32, #tpu.memory_space<hbm>>
    tpu.enqueue_dma source(%dma_start3A_9 : memref<128xi32, #tpu.memory_space<hbm>>) target(%arg7 : memref<128xi32, #tpu.memory_space<vmem>>) target_semaphore(%arg14 : memref<!tpu.dma_semaphore, #tpu.memory_space<semaphore_mem>>)
    %add3A_10 = arith.constant 0 : i32
    %add3A_11 = arith.addi %mul3A_4, %add3A_10 : i32
    %dma_start3A_12 = tpu.memref_slice %arg4[%add3A_11] : memref<655360xi32, #tpu.memory_space<hbm>> -> memref<128xi32, #tpu.memory_space<hbm>>
    %dma_start3A_13 = tpu.memref_slice %arg4[%add3A_11] : memref<655360xi32, #tpu.memory_space<hbm>> -> memref<128xi32, #tpu.memory_space<hbm>>
    tpu.enqueue_dma source(%dma_start3A_13 : memref<128xi32, #tpu.memory_space<hbm>>) target(%arg8 : memref<128xi32, #tpu.memory_space<vmem>>) target_semaphore(%arg14 : memref<!tpu.dma_semaphore, #tpu.memory_space<semaphore_mem>>)
    %add3A_14 = arith.constant 128 : i32
    %add3A_15 = arith.addi %mul3A_4, %add3A_14 : i32
    %dma_start3A_16 = tpu.memref_slice %arg3[%add3A_15] : memref<655360xi32, #tpu.memory_space<hbm>> -> memref<128xi32, #tpu.memory_space<hbm>>
    %dma_start3A_17 = tpu.memref_slice %arg3[%add3A_15] : memref<655360xi32, #tpu.memory_space<hbm>> -> memref<128xi32, #tpu.memory_space<hbm>>
    tpu.enqueue_dma source(%dma_start3A_17 : memref<128xi32, #tpu.memory_space<hbm>>) target(%arg9 : memref<128xi32, #tpu.memory_space<vmem>>) target_semaphore(%arg15 : memref<!tpu.dma_semaphore, #tpu.memory_space<semaphore_mem>>)
    %add3A_18 = arith.constant 128 : i32
    %add3A_19 = arith.addi %mul3A_4, %add3A_18 : i32
    %dma_start3A_20 = tpu.memref_slice %arg4[%add3A_19] : memref<655360xi32, #tpu.memory_space<hbm>> -> memref<128xi32, #tpu.memory_space<hbm>>
    %dma_start3A_21 = tpu.memref_slice %arg4[%add3A_19] : memref<655360xi32, #tpu.memory_space<hbm>> -> memref<128xi32, #tpu.memory_space<hbm>>
    tpu.enqueue_dma source(%dma_start3A_21 : memref<128xi32, #tpu.memory_space<hbm>>) target(%arg10 : memref<128xi32, #tpu.memory_space<vmem>>) target_semaphore(%arg15 : memref<!tpu.dma_semaphore, #tpu.memory_space<semaphore_mem>>)
    %barrier3A = arith.constant 0 : index
    tpu.barrier barrier_id(%barrier3A)
    %scan3A = arith.constant 0 : i32
    %scan3A_22 = arith.constant 0 : i32
    %scan3A_23 = arith.constant 80 : i32
    %scan3A_24 = arith.addi %scan3A_22, %scan3A_23 : i32
    %scan3A_25 = arith.constant 1 : i32
    scf.for %scan3A_37 = %scan3A_22 to %scan3A_24 step %scan3A_25  : i32 {
      %mul3A_38 = arith.constant 2 : i32
      %mul3A_39 = arith.muli %mul3A_38, %scan3A_37 : i32
      %dma_wait3A = tpu.memref_slice %arg3[%mul3A_4] : memref<655360xi32, #tpu.memory_space<hbm>> -> memref<128xi32, #tpu.memory_space<hbm>>
      %dma_wait3A_40 = tpu.memref_slice %arg3[%mul3A_4] : memref<655360xi32, #tpu.memory_space<hbm>> -> memref<128xi32, #tpu.memory_space<hbm>>
      tpu.wait_dma2 semaphore(%arg14 : memref<!tpu.dma_semaphore, #tpu.memory_space<semaphore_mem>>) src(%dma_wait3A_40 : memref<128xi32, #tpu.memory_space<hbm>>) dst(%arg7 : memref<128xi32, #tpu.memory_space<vmem>>)
      %dma_wait3A_41 = tpu.memref_slice %arg4[%mul3A_4] : memref<655360xi32, #tpu.memory_space<hbm>> -> memref<128xi32, #tpu.memory_space<hbm>>
      %dma_wait3A_42 = tpu.memref_slice %arg4[%mul3A_4] : memref<655360xi32, #tpu.memory_space<hbm>> -> memref<128xi32, #tpu.memory_space<hbm>>
      tpu.wait_dma2 semaphore(%arg14 : memref<!tpu.dma_semaphore, #tpu.memory_space<semaphore_mem>>) src(%dma_wait3A_42 : memref<128xi32, #tpu.memory_space<hbm>>) dst(%arg8 : memref<128xi32, #tpu.memory_space<vmem>>)
      %dma_start3A_43 = arith.constant 0 : i32
      %dma_start3A_44 = arith.constant 0 : i32
      %dma_start3A_45 = tpu.memref_slice %arg2[%dma_start3A_43, %dma_start3A_44] : memref<20000x128xf32, #tpu.memory_space<hbm>> -> memref<20000x128xf32, #tpu.memory_space<hbm>>
      tpu.enqueue_indirect_dma source(%dma_start3A_45 : memref<20000x128xf32, #tpu.memory_space<hbm>>) target(%arg11 : memref<128x128xf32, #tpu.memory_space<vmem>>) offsets(%arg7 : memref<128xi32, #tpu.memory_space<vmem>>) semaphore(%arg16 : memref<!tpu.dma_semaphore, #tpu.memory_space<semaphore_mem>>)
      %dma_wait3A_46 = tpu.memref_slice %arg3[%mul3A_4] : memref<655360xi32, #tpu.memory_space<hbm>> -> memref<128xi32, #tpu.memory_space<hbm>>
      %dma_wait3A_47 = tpu.memref_slice %arg3[%mul3A_4] : memref<655360xi32, #tpu.memory_space<hbm>> -> memref<128xi32, #tpu.memory_space<hbm>>
      tpu.wait_dma2 semaphore(%arg15 : memref<!tpu.dma_semaphore, #tpu.memory_space<semaphore_mem>>) src(%dma_wait3A_47 : memref<128xi32, #tpu.memory_space<hbm>>) dst(%arg9 : memref<128xi32, #tpu.memory_space<vmem>>)
      %dma_wait3A_48 = tpu.memref_slice %arg4[%mul3A_4] : memref<655360xi32, #tpu.memory_space<hbm>> -> memref<128xi32, #tpu.memory_space<hbm>>
      %dma_wait3A_49 = tpu.memref_slice %arg4[%mul3A_4] : memref<655360xi32, #tpu.memory_space<hbm>> -> memref<128xi32, #tpu.memory_space<hbm>>
      tpu.wait_dma2 semaphore(%arg15 : memref<!tpu.dma_semaphore, #tpu.memory_space<semaphore_mem>>) src(%dma_wait3A_49 : memref<128xi32, #tpu.memory_space<hbm>>) dst(%arg10 : memref<128xi32, #tpu.memory_space<vmem>>)
      %dma_start3A_50 = arith.constant 0 : i32
      %dma_start3A_51 = arith.constant 0 : i32
      %dma_start3A_52 = tpu.memref_slice %arg2[%dma_start3A_50, %dma_start3A_51] : memref<20000x128xf32, #tpu.memory_space<hbm>> -> memref<20000x128xf32, #tpu.memory_space<hbm>>
      tpu.enqueue_indirect_dma source(%dma_start3A_52 : memref<20000x128xf32, #tpu.memory_space<hbm>>) target(%arg12 : memref<128x128xf32, #tpu.memory_space<vmem>>) offsets(%arg9 : memref<128xi32, #tpu.memory_space<vmem>>) semaphore(%arg17 : memref<!tpu.dma_semaphore, #tpu.memory_space<semaphore_mem>>)
      %dma_wait3A_53 = arith.constant 0 : i32
      %dma_wait3A_54 = arith.constant 0 : i32
      %dma_wait3A_55 = tpu.memref_slice %arg2[%dma_wait3A_53, %dma_wait3A_54] : memref<20000x128xf32, #tpu.memory_space<hbm>> -> memref<20000x128xf32, #tpu.memory_space<hbm>>
      tpu.wait_indirect_dma semaphore(%arg16 : memref<!tpu.dma_semaphore, #tpu.memory_space<semaphore_mem>>) src(%dma_wait3A_55 : memref<20000x128xf32, #tpu.memory_space<hbm>>) dst(%arg11 : memref<128x128xf32, #tpu.memory_space<vmem>>)
      %dma_start3A_56 = arith.constant 0 : i32
      %dma_start3A_57 = arith.constant 0 : i32
      %dma_start3A_58 = tpu.memref_slice %arg13[%dma_start3A_56, %dma_start3A_57] : memref<10112x128xf32, #tpu.memory_space<vmem_shared>> -> memref<10112x128xf32, #tpu.memory_space<vmem_shared>>
      tpu.enqueue_indirect_dma source(%arg11 : memref<128x128xf32, #tpu.memory_space<vmem>>) target(%dma_start3A_58 : memref<10112x128xf32, #tpu.memory_space<vmem_shared>>) offsets(%arg8 : memref<128xi32, #tpu.memory_space<vmem>>) semaphore(%arg18 : memref<!tpu.dma_semaphore, #tpu.memory_space<semaphore_mem>>) {add = true}
      %dma_wait3A_59 = arith.constant 0 : i32
      %dma_wait3A_60 = arith.constant 0 : i32
      %dma_wait3A_61 = tpu.memref_slice %arg2[%dma_wait3A_59, %dma_wait3A_60] : memref<20000x128xf32, #tpu.memory_space<hbm>> -> memref<20000x128xf32, #tpu.memory_space<hbm>>
      tpu.wait_indirect_dma semaphore(%arg17 : memref<!tpu.dma_semaphore, #tpu.memory_space<semaphore_mem>>) src(%dma_wait3A_61 : memref<20000x128xf32, #tpu.memory_space<hbm>>) dst(%arg12 : memref<128x128xf32, #tpu.memory_space<vmem>>)
      %dma_start3A_62 = arith.constant 0 : i32
      %dma_start3A_63 = arith.constant 0 : i32
      %dma_start3A_64 = tpu.memref_slice %arg13[%dma_start3A_62, %dma_start3A_63] : memref<10112x128xf32, #tpu.memory_space<vmem_shared>> -> memref<10112x128xf32, #tpu.memory_space<vmem_shared>>
      tpu.enqueue_indirect_dma source(%arg12 : memref<128x128xf32, #tpu.memory_space<vmem>>) target(%dma_start3A_64 : memref<10112x128xf32, #tpu.memory_space<vmem_shared>>) offsets(%arg10 : memref<128xi32, #tpu.memory_space<vmem>>) semaphore(%arg19 : memref<!tpu.dma_semaphore, #tpu.memory_space<semaphore_mem>>) {add = true}
      %dma_wait3A_65 = arith.constant 0 : i32
      %dma_wait3A_66 = arith.constant 0 : i32
      %dma_wait3A_67 = tpu.memref_slice %arg13[%dma_wait3A_65, %dma_wait3A_66] : memref<10112x128xf32, #tpu.memory_space<vmem_shared>> -> memref<10112x128xf32, #tpu.memory_space<vmem_shared>>
      tpu.wait_indirect_dma semaphore(%arg18 : memref<!tpu.dma_semaphore, #tpu.memory_space<semaphore_mem>>) src(%arg11 : memref<128x128xf32, #tpu.memory_space<vmem>>) dst(%dma_wait3A_67 : memref<10112x128xf32, #tpu.memory_space<vmem_shared>>)
      %add3A_68 = arith.constant 2 : i32
      %add3A_69 = arith.addi %mul3A_39, %add3A_68 : i32
      %lt3A = arith.constant 160 : i32
      %lt3A_70 = arith.cmpi slt, %add3A_69, %lt3A : i32
      %convert_element_type3A_71 = arith.extui %lt3A_70 : i1 to i32
      %cond3A_72 = arith.constant 0 : i32
      %cond3A_73 = arith.cmpi ne, %convert_element_type3A_71, %cond3A_72 : i32
      scf.if %cond3A_73 {
        %add3A_84 = arith.constant 2 : i32
        %add3A_85 = arith.addi %mul3A_39, %add3A_84 : i32
        %mul3A_86 = arith.constant 128 : i32
        %mul3A_87 = arith.muli %add3A_85, %mul3A_86 : i32
        %add3A_88 = arith.addi %mul3A_4, %mul3A_87 : i32
        %dma_start3A_89 = tpu.memref_slice %arg3[%add3A_88] : memref<655360xi32, #tpu.memory_space<hbm>> -> memref<128xi32, #tpu.memory_space<hbm>>
        %dma_start3A_90 = tpu.memref_slice %arg3[%add3A_88] : memref<655360xi32, #tpu.memory_space<hbm>> -> memref<128xi32, #tpu.memory_space<hbm>>
        tpu.enqueue_dma source(%dma_start3A_90 : memref<128xi32, #tpu.memory_space<hbm>>) target(%arg7 : memref<128xi32, #tpu.memory_space<vmem>>) target_semaphore(%arg14 : memref<!tpu.dma_semaphore, #tpu.memory_space<semaphore_mem>>)
        %mul3A_91 = arith.constant 128 : i32
        %mul3A_92 = arith.muli %add3A_85, %mul3A_91 : i32
        %add3A_93 = arith.addi %mul3A_4, %mul3A_92 : i32
        %dma_start3A_94 = tpu.memref_slice %arg4[%add3A_93] : memref<655360xi32, #tpu.memory_space<hbm>> -> memref<128xi32, #tpu.memory_space<hbm>>
        %dma_start3A_95 = tpu.memref_slice %arg4[%add3A_93] : memref<655360xi32, #tpu.memory_space<hbm>> -> memref<128xi32, #tpu.memory_space<hbm>>
        tpu.enqueue_dma source(%dma_start3A_95 : memref<128xi32, #tpu.memory_space<hbm>>) target(%arg8 : memref<128xi32, #tpu.memory_space<vmem>>) target_semaphore(%arg14 : memref<!tpu.dma_semaphore, #tpu.memory_space<semaphore_mem>>)
      } else {
      }
      %dma_wait3A_74 = arith.constant 0 : i32
      %dma_wait3A_75 = arith.constant 0 : i32
      %dma_wait3A_76 = tpu.memref_slice %arg13[%dma_wait3A_74, %dma_wait3A_75] : memref<10112x128xf32, #tpu.memory_space<vmem_shared>> -> memref<10112x128xf32, #tpu.memory_space<vmem_shared>>
      tpu.wait_indirect_dma semaphore(%arg19 : memref<!tpu.dma_semaphore, #tpu.memory_space<semaphore_mem>>) src(%arg12 : memref<128x128xf32, #tpu.memory_space<vmem>>) dst(%dma_wait3A_76 : memref<10112x128xf32, #tpu.memory_space<vmem_shared>>)
      %add3A_77 = arith.constant 3 : i32
      %add3A_78 = arith.addi %mul3A_39, %add3A_77 : i32
      %lt3A_79 = arith.constant 160 : i32
      %lt3A_80 = arith.cmpi slt, %add3A_78, %lt3A_79 : i32
      %convert_element_type3A_81 = arith.extui %lt3A_80 : i1 to i32
      %cond3A_82 = arith.constant 0 : i32
      %cond3A_83 = arith.cmpi ne, %convert_element_type3A_81, %cond3A_82 : i32
      scf.if %cond3A_83 {
        %add3A_84 = arith.constant 3 : i32
        %add3A_85 = arith.addi %mul3A_39, %add3A_84 : i32
        %mul3A_86 = arith.constant 128 : i32
        %mul3A_87 = arith.muli %add3A_85, %mul3A_86 : i32
        %add3A_88 = arith.addi %mul3A_4, %mul3A_87 : i32
        %dma_start3A_89 = tpu.memref_slice %arg3[%add3A_88] : memref<655360xi32, #tpu.memory_space<hbm>> -> memref<128xi32, #tpu.memory_space<hbm>>
        %dma_start3A_90 = tpu.memref_slice %arg3[%add3A_88] : memref<655360xi32, #tpu.memory_space<hbm>> -> memref<128xi32, #tpu.memory_space<hbm>>
        tpu.enqueue_dma source(%dma_start3A_90 : memref<128xi32, #tpu.memory_space<hbm>>) target(%arg9 : memref<128xi32, #tpu.memory_space<vmem>>) target_semaphore(%arg15 : memref<!tpu.dma_semaphore, #tpu.memory_space<semaphore_mem>>)
        %mul3A_91 = arith.constant 128 : i32
        %mul3A_92 = arith.muli %add3A_85, %mul3A_91 : i32
        %add3A_93 = arith.addi %mul3A_4, %mul3A_92 : i32
        %dma_start3A_94 = tpu.memref_slice %arg4[%add3A_93] : memref<655360xi32, #tpu.memory_space<hbm>> -> memref<128xi32, #tpu.memory_space<hbm>>
        %dma_start3A_95 = tpu.memref_slice %arg4[%add3A_93] : memref<655360xi32, #tpu.memory_space<hbm>> -> memref<128xi32, #tpu.memory_space<hbm>>
        tpu.enqueue_dma source(%dma_start3A_95 : memref<128xi32, #tpu.memory_space<hbm>>) target(%arg10 : memref<128xi32, #tpu.memory_space<vmem>>) target_semaphore(%arg15 : memref<!tpu.dma_semaphore, #tpu.memory_space<semaphore_mem>>)
      } else {
      }
    }
    %scan3A_26 = arith.constant 80 : i32
    %barrier3A_27 = arith.constant 0 : index
    tpu.barrier barrier_id(%barrier3A_27)
    %mul3A_28 = arith.constant 10000 : i32
    %mul3A_29 = arith.muli %arg0, %mul3A_28 : i32
    %mul3A_30 = arith.constant 624 : i32
    %mul3A_31 = arith.muli %arg1, %mul3A_30 : i32
    %add3A_32 = arith.addi %mul3A_29, %mul3A_31 : i32
    %mul3A_33 = arith.constant 624 : i32
    %mul3A_34 = arith.muli %arg1, %mul3A_33 : i32
    "tpu.region"() ({
      %run_scoped3A = tpu.sem_alloc : memref<!tpu.dma_semaphore, #tpu.memory_space<semaphore_mem>>
      %dma_start3A_37 = arith.constant 0 : i32
      %dma_start3A_38 = tpu.memref_slice %arg6[%add3A_32, %dma_start3A_37] : memref<20000x128xf32, #tpu.memory_space<hbm>> -> memref<624x128xf32, #tpu.memory_space<hbm>>
      %dma_start3A_39 = arith.constant 0 : i32
      %dma_start3A_40 = tpu.memref_slice %arg13[%mul3A_34, %dma_start3A_39] : memref<10112x128xf32, #tpu.memory_space<vmem_shared>> -> memref<624x128xf32, #tpu.memory_space<vmem_shared>>
      tpu.enqueue_dma source(%dma_start3A_40 : memref<624x128xf32, #tpu.memory_space<vmem_shared>>) target(%dma_start3A_38 : memref<624x128xf32, #tpu.memory_space<hbm>>) target_semaphore(%run_scoped3A : memref<!tpu.dma_semaphore, #tpu.memory_space<semaphore_mem>>)
      %dma_wait3A = arith.constant 0 : i32
      %dma_wait3A_41 = tpu.memref_slice %arg6[%add3A_32, %dma_wait3A] : memref<20000x128xf32, #tpu.memory_space<hbm>> -> memref<624x128xf32, #tpu.memory_space<hbm>>
      %dma_wait3A_42 = arith.constant 0 : i32
      %dma_wait3A_43 = tpu.memref_slice %arg13[%mul3A_34, %dma_wait3A_42] : memref<10112x128xf32, #tpu.memory_space<vmem_shared>> -> memref<624x128xf32, #tpu.memory_space<vmem_shared>>
      tpu.wait_dma2 semaphore(%run_scoped3A : memref<!tpu.dma_semaphore, #tpu.memory_space<semaphore_mem>>) src(%dma_wait3A_43 : memref<624x128xf32, #tpu.memory_space<vmem_shared>>) dst(%dma_wait3A_41 : memref<624x128xf32, #tpu.memory_space<hbm>>)
      tpu.yield
    }) : () -> ()
    %eq3A = arith.constant 15 : i32
    %eq3A_35 = arith.cmpi eq, %arg1, %eq3A : i32
    %convert_element_type3A = arith.extui %eq3A_35 : i1 to i32
    %cond3A = arith.constant 0 : i32
    %cond3A_36 = arith.cmpi ne, %convert_element_type3A, %cond3A : i32
    scf.if %cond3A_36 {
      %mul3A_37 = arith.constant 10000 : i32
      %mul3A_38 = arith.muli %arg0, %mul3A_37 : i32
      %add3A_39 = arith.constant 9984 : i32
      %add3A_40 = arith.addi %mul3A_38, %add3A_39 : i32
      "tpu.region"() ({
        %run_scoped3A = tpu.sem_alloc : memref<!tpu.dma_semaphore, #tpu.memory_space<semaphore_mem>>
        %dma_start3A_41 = arith.constant 0 : i32
        %dma_start3A_42 = tpu.memref_slice %arg6[%add3A_40, %dma_start3A_41] : memref<20000x128xf32, #tpu.memory_space<hbm>> -> memref<16x128xf32, #tpu.memory_space<hbm>>
        %dma_start3A_43 = arith.constant 9984 : i32
        %dma_start3A_44 = arith.constant 0 : i32
        %dma_start3A_45 = tpu.memref_slice %arg13[%dma_start3A_43, %dma_start3A_44] : memref<10112x128xf32, #tpu.memory_space<vmem_shared>> -> memref<16x128xf32, #tpu.memory_space<vmem_shared>>
        tpu.enqueue_dma source(%dma_start3A_45 : memref<16x128xf32, #tpu.memory_space<vmem_shared>>) target(%dma_start3A_42 : memref<16x128xf32, #tpu.memory_space<hbm>>) target_semaphore(%run_scoped3A : memref<!tpu.dma_semaphore, #tpu.memory_space<semaphore_mem>>)
        %dma_wait3A = arith.constant 0 : i32
        %dma_wait3A_46 = tpu.memref_slice %arg6[%add3A_40, %dma_wait3A] : memref<20000x128xf32, #tpu.memory_space<hbm>> -> memref<16x128xf32, #tpu.memory_space<hbm>>
        %dma_wait3A_47 = arith.constant 9984 : i32
        %dma_wait3A_48 = arith.constant 0 : i32
        %dma_wait3A_49 = tpu.memref_slice %arg13[%dma_wait3A_47, %dma_wait3A_48] : memref<10112x128xf32, #tpu.memory_space<vmem_shared>> -> memref<16x128xf32, #tpu.memory_space<vmem_shared>>
        tpu.wait_dma2 semaphore(%run_scoped3A : memref<!tpu.dma_semaphore, #tpu.memory_space<semaphore_mem>>) src(%dma_wait3A_49 : memref<16x128xf32, #tpu.memory_space<vmem_shared>>) dst(%dma_wait3A_46 : memref<16x128xf32, #tpu.memory_space<hbm>>)
        tpu.yield
      }) : () -> ()
    } else {
    }
    return
  }
}

#map = affine_map<(d0, d1) -> (0, 0)>
#map1 = affine_map<(d0, d1) -> (0)>
module attributes {stable_mosaic.version = 14 : i64} {
  func.func @_sc_agg_body(%arg0: i32, %arg1: i32, %arg2: memref<20000x128xf32, #tpu.memory_space<hbm>>, %arg3: memref<655360xi32, #tpu.memory_space<hbm>>, %arg4: memref<655360xi32, #tpu.memory_space<hbm>>, %arg5: memref<632x128xf32, #tpu.memory_space<hbm>>, %arg6: memref<20000x128xf32, #tpu.memory_space<hbm>>, %arg7: memref<128xi32, #tpu.memory_space<vmem>>, %arg8: memref<128xi32, #tpu.memory_space<vmem>>, %arg9: memref<128xi32, #tpu.memory_space<vmem>>, %arg10: memref<128xi32, #tpu.memory_space<vmem>>, %arg11: memref<128x128xf32, #tpu.memory_space<vmem>>, %arg12: memref<128x128xf32, #tpu.memory_space<vmem>>, %arg13: memref<10112x128xf32, #tpu.memory_space<vmem_shared>>, %arg14: memref<!tpu.dma_semaphore, #tpu.memory_space<semaphore_mem>>, %arg15: memref<!tpu.dma_semaphore, #tpu.memory_space<semaphore_mem>>, %arg16: memref<!tpu.dma_semaphore, #tpu.memory_space<semaphore_mem>>, %arg17: memref<!tpu.dma_semaphore, #tpu.memory_space<semaphore_mem>>, %arg18: memref<!tpu.dma_semaphore, #tpu.memory_space<semaphore_mem>>, %arg19: memref<!tpu.dma_semaphore, #tpu.memory_space<semaphore_mem>>) attributes {dimension_semantics = [#tpu.dimension_semantics<core_parallel>, #tpu.dimension_semantics<subcore_parallel>], iteration_bounds = array<i64: 2, 16>, scalar_prefetch = 0 : i64, scratch_operands = 13 : i64, tpu.core_type = #tpu.core_type<sc_vector_subcore>, window_params = [{transform_indices = #map}, {transform_indices = #map1}, {transform_indices = #map1}, {transform_indices = #map}, {transform_indices = #map}]} {
    %mul3A = arith.constant 16 : i32
    %mul3A_0 = arith.muli %arg0, %mul3A : i32
    %add3A = arith.addi %mul3A_0, %arg1 : i32
    %mul3A_1 = arith.constant 160 : i32
    %mul3A_2 = arith.muli %add3A, %mul3A_1 : i32
    %mul3A_3 = arith.constant 128 : i32
    %mul3A_4 = arith.muli %mul3A_2, %mul3A_3 : i32
    %mul3A_5 = arith.constant 632 : i32
    %mul3A_6 = arith.muli %arg1, %mul3A_5 : i32
    "tpu.region"() ({
      %run_scoped3A = tpu.sem_alloc : memref<!tpu.dma_semaphore, #tpu.memory_space<semaphore_mem>>
      %dma_start3A_37 = arith.constant 0 : i32
      %dma_start3A_38 = tpu.memref_slice %arg13[%mul3A_6, %dma_start3A_37] : memref<10112x128xf32, #tpu.memory_space<vmem_shared>> -> memref<632x128xf32, #tpu.memory_space<vmem_shared>>
      tpu.enqueue_dma source(%arg5 : memref<632x128xf32, #tpu.memory_space<hbm>>) target(%dma_start3A_38 : memref<632x128xf32, #tpu.memory_space<vmem_shared>>) target_semaphore(%run_scoped3A : memref<!tpu.dma_semaphore, #tpu.memory_space<semaphore_mem>>)
      %dma_wait3A = arith.constant 0 : i32
      %dma_wait3A_39 = tpu.memref_slice %arg13[%mul3A_6, %dma_wait3A] : memref<10112x128xf32, #tpu.memory_space<vmem_shared>> -> memref<632x128xf32, #tpu.memory_space<vmem_shared>>
      tpu.wait_dma2 semaphore(%run_scoped3A : memref<!tpu.dma_semaphore, #tpu.memory_space<semaphore_mem>>) src(%arg5 : memref<632x128xf32, #tpu.memory_space<hbm>>) dst(%dma_wait3A_39 : memref<632x128xf32, #tpu.memory_space<vmem_shared>>)
      tpu.yield
    }) : () -> ()
    %add3A_7 = arith.constant 0 : i32
    %add3A_8 = arith.addi %mul3A_4, %add3A_7 : i32
    %dma_start3A = tpu.memref_slice %arg3[%add3A_8] : memref<655360xi32, #tpu.memory_space<hbm>> -> memref<128xi32, #tpu.memory_space<hbm>>
    %dma_start3A_9 = tpu.memref_slice %arg3[%add3A_8] : memref<655360xi32, #tpu.memory_space<hbm>> -> memref<128xi32, #tpu.memory_space<hbm>>
    tpu.enqueue_dma source(%dma_start3A_9 : memref<128xi32, #tpu.memory_space<hbm>>) target(%arg7 : memref<128xi32, #tpu.memory_space<vmem>>) target_semaphore(%arg14 : memref<!tpu.dma_semaphore, #tpu.memory_space<semaphore_mem>>)
    %add3A_10 = arith.constant 0 : i32
    %add3A_11 = arith.addi %mul3A_4, %add3A_10 : i32
    %dma_start3A_12 = tpu.memref_slice %arg4[%add3A_11] : memref<655360xi32, #tpu.memory_space<hbm>> -> memref<128xi32, #tpu.memory_space<hbm>>
    %dma_start3A_13 = tpu.memref_slice %arg4[%add3A_11] : memref<655360xi32, #tpu.memory_space<hbm>> -> memref<128xi32, #tpu.memory_space<hbm>>
    tpu.enqueue_dma source(%dma_start3A_13 : memref<128xi32, #tpu.memory_space<hbm>>) target(%arg8 : memref<128xi32, #tpu.memory_space<vmem>>) target_semaphore(%arg14 : memref<!tpu.dma_semaphore, #tpu.memory_space<semaphore_mem>>)
    %add3A_14 = arith.constant 128 : i32
    %add3A_15 = arith.addi %mul3A_4, %add3A_14 : i32
    %dma_start3A_16 = tpu.memref_slice %arg3[%add3A_15] : memref<655360xi32, #tpu.memory_space<hbm>> -> memref<128xi32, #tpu.memory_space<hbm>>
    %dma_start3A_17 = tpu.memref_slice %arg3[%add3A_15] : memref<655360xi32, #tpu.memory_space<hbm>> -> memref<128xi32, #tpu.memory_space<hbm>>
    tpu.enqueue_dma source(%dma_start3A_17 : memref<128xi32, #tpu.memory_space<hbm>>) target(%arg9 : memref<128xi32, #tpu.memory_space<vmem>>) target_semaphore(%arg15 : memref<!tpu.dma_semaphore, #tpu.memory_space<semaphore_mem>>)
    %add3A_18 = arith.constant 128 : i32
    %add3A_19 = arith.addi %mul3A_4, %add3A_18 : i32
    %dma_start3A_20 = tpu.memref_slice %arg4[%add3A_19] : memref<655360xi32, #tpu.memory_space<hbm>> -> memref<128xi32, #tpu.memory_space<hbm>>
    %dma_start3A_21 = tpu.memref_slice %arg4[%add3A_19] : memref<655360xi32, #tpu.memory_space<hbm>> -> memref<128xi32, #tpu.memory_space<hbm>>
    tpu.enqueue_dma source(%dma_start3A_21 : memref<128xi32, #tpu.memory_space<hbm>>) target(%arg10 : memref<128xi32, #tpu.memory_space<vmem>>) target_semaphore(%arg15 : memref<!tpu.dma_semaphore, #tpu.memory_space<semaphore_mem>>)
    %barrier3A = arith.constant 0 : index
    tpu.barrier barrier_id(%barrier3A)
    %scan3A = arith.constant 0 : i32
    %scan3A_22 = arith.constant 0 : i32
    %scan3A_23 = arith.constant 80 : i32
    %scan3A_24 = arith.addi %scan3A_22, %scan3A_23 : i32
    %scan3A_25 = arith.constant 1 : i32
    scf.for %scan3A_37 = %scan3A_22 to %scan3A_24 step %scan3A_25  : i32 {
      %mul3A_38 = arith.constant 2 : i32
      %mul3A_39 = arith.muli %mul3A_38, %scan3A_37 : i32
      %dma_wait3A = tpu.memref_slice %arg3[%mul3A_4] : memref<655360xi32, #tpu.memory_space<hbm>> -> memref<128xi32, #tpu.memory_space<hbm>>
      %dma_wait3A_40 = tpu.memref_slice %arg3[%mul3A_4] : memref<655360xi32, #tpu.memory_space<hbm>> -> memref<128xi32, #tpu.memory_space<hbm>>
      tpu.wait_dma2 semaphore(%arg14 : memref<!tpu.dma_semaphore, #tpu.memory_space<semaphore_mem>>) src(%dma_wait3A_40 : memref<128xi32, #tpu.memory_space<hbm>>) dst(%arg7 : memref<128xi32, #tpu.memory_space<vmem>>)
      %dma_wait3A_41 = tpu.memref_slice %arg4[%mul3A_4] : memref<655360xi32, #tpu.memory_space<hbm>> -> memref<128xi32, #tpu.memory_space<hbm>>
      %dma_wait3A_42 = tpu.memref_slice %arg4[%mul3A_4] : memref<655360xi32, #tpu.memory_space<hbm>> -> memref<128xi32, #tpu.memory_space<hbm>>
      tpu.wait_dma2 semaphore(%arg14 : memref<!tpu.dma_semaphore, #tpu.memory_space<semaphore_mem>>) src(%dma_wait3A_42 : memref<128xi32, #tpu.memory_space<hbm>>) dst(%arg8 : memref<128xi32, #tpu.memory_space<vmem>>)
      %dma_start3A_43 = arith.constant 0 : i32
      %dma_start3A_44 = arith.constant 0 : i32
      %dma_start3A_45 = tpu.memref_slice %arg2[%dma_start3A_43, %dma_start3A_44] : memref<20000x128xf32, #tpu.memory_space<hbm>> -> memref<20000x128xf32, #tpu.memory_space<hbm>>
      tpu.enqueue_indirect_dma source(%dma_start3A_45 : memref<20000x128xf32, #tpu.memory_space<hbm>>) target(%arg11 : memref<128x128xf32, #tpu.memory_space<vmem>>) offsets(%arg7 : memref<128xi32, #tpu.memory_space<vmem>>) semaphore(%arg16 : memref<!tpu.dma_semaphore, #tpu.memory_space<semaphore_mem>>)
      %dma_wait3A_46 = tpu.memref_slice %arg3[%mul3A_4] : memref<655360xi32, #tpu.memory_space<hbm>> -> memref<128xi32, #tpu.memory_space<hbm>>
      %dma_wait3A_47 = tpu.memref_slice %arg3[%mul3A_4] : memref<655360xi32, #tpu.memory_space<hbm>> -> memref<128xi32, #tpu.memory_space<hbm>>
      tpu.wait_dma2 semaphore(%arg15 : memref<!tpu.dma_semaphore, #tpu.memory_space<semaphore_mem>>) src(%dma_wait3A_47 : memref<128xi32, #tpu.memory_space<hbm>>) dst(%arg9 : memref<128xi32, #tpu.memory_space<vmem>>)
      %dma_wait3A_48 = tpu.memref_slice %arg4[%mul3A_4] : memref<655360xi32, #tpu.memory_space<hbm>> -> memref<128xi32, #tpu.memory_space<hbm>>
      %dma_wait3A_49 = tpu.memref_slice %arg4[%mul3A_4] : memref<655360xi32, #tpu.memory_space<hbm>> -> memref<128xi32, #tpu.memory_space<hbm>>
      tpu.wait_dma2 semaphore(%arg15 : memref<!tpu.dma_semaphore, #tpu.memory_space<semaphore_mem>>) src(%dma_wait3A_49 : memref<128xi32, #tpu.memory_space<hbm>>) dst(%arg10 : memref<128xi32, #tpu.memory_space<vmem>>)
      %dma_start3A_50 = arith.constant 0 : i32
      %dma_start3A_51 = arith.constant 0 : i32
      %dma_start3A_52 = tpu.memref_slice %arg2[%dma_start3A_50, %dma_start3A_51] : memref<20000x128xf32, #tpu.memory_space<hbm>> -> memref<20000x128xf32, #tpu.memory_space<hbm>>
      tpu.enqueue_indirect_dma source(%dma_start3A_52 : memref<20000x128xf32, #tpu.memory_space<hbm>>) target(%arg12 : memref<128x128xf32, #tpu.memory_space<vmem>>) offsets(%arg9 : memref<128xi32, #tpu.memory_space<vmem>>) semaphore(%arg17 : memref<!tpu.dma_semaphore, #tpu.memory_space<semaphore_mem>>)
      %dma_wait3A_53 = arith.constant 0 : i32
      %dma_wait3A_54 = arith.constant 0 : i32
      %dma_wait3A_55 = tpu.memref_slice %arg2[%dma_wait3A_53, %dma_wait3A_54] : memref<20000x128xf32, #tpu.memory_space<hbm>> -> memref<20000x128xf32, #tpu.memory_space<hbm>>
      tpu.wait_indirect_dma semaphore(%arg16 : memref<!tpu.dma_semaphore, #tpu.memory_space<semaphore_mem>>) src(%dma_wait3A_55 : memref<20000x128xf32, #tpu.memory_space<hbm>>) dst(%arg11 : memref<128x128xf32, #tpu.memory_space<vmem>>)
      %dma_start3A_56 = arith.constant 0 : i32
      %dma_start3A_57 = arith.constant 0 : i32
      %dma_start3A_58 = tpu.memref_slice %arg13[%dma_start3A_56, %dma_start3A_57] : memref<10112x128xf32, #tpu.memory_space<vmem_shared>> -> memref<10112x128xf32, #tpu.memory_space<vmem_shared>>
      tpu.enqueue_indirect_dma source(%arg11 : memref<128x128xf32, #tpu.memory_space<vmem>>) target(%dma_start3A_58 : memref<10112x128xf32, #tpu.memory_space<vmem_shared>>) offsets(%arg8 : memref<128xi32, #tpu.memory_space<vmem>>) semaphore(%arg18 : memref<!tpu.dma_semaphore, #tpu.memory_space<semaphore_mem>>) {add = true}
      %dma_wait3A_59 = arith.constant 0 : i32
      %dma_wait3A_60 = arith.constant 0 : i32
      %dma_wait3A_61 = tpu.memref_slice %arg2[%dma_wait3A_59, %dma_wait3A_60] : memref<20000x128xf32, #tpu.memory_space<hbm>> -> memref<20000x128xf32, #tpu.memory_space<hbm>>
      tpu.wait_indirect_dma semaphore(%arg17 : memref<!tpu.dma_semaphore, #tpu.memory_space<semaphore_mem>>) src(%dma_wait3A_61 : memref<20000x128xf32, #tpu.memory_space<hbm>>) dst(%arg12 : memref<128x128xf32, #tpu.memory_space<vmem>>)
      %dma_start3A_62 = arith.constant 0 : i32
      %dma_start3A_63 = arith.constant 0 : i32
      %dma_start3A_64 = tpu.memref_slice %arg13[%dma_start3A_62, %dma_start3A_63] : memref<10112x128xf32, #tpu.memory_space<vmem_shared>> -> memref<10112x128xf32, #tpu.memory_space<vmem_shared>>
      tpu.enqueue_indirect_dma source(%arg12 : memref<128x128xf32, #tpu.memory_space<vmem>>) target(%dma_start3A_64 : memref<10112x128xf32, #tpu.memory_space<vmem_shared>>) offsets(%arg10 : memref<128xi32, #tpu.memory_space<vmem>>) semaphore(%arg19 : memref<!tpu.dma_semaphore, #tpu.memory_space<semaphore_mem>>) {add = true}
      %dma_wait3A_65 = arith.constant 0 : i32
      %dma_wait3A_66 = arith.constant 0 : i32
      %dma_wait3A_67 = tpu.memref_slice %arg13[%dma_wait3A_65, %dma_wait3A_66] : memref<10112x128xf32, #tpu.memory_space<vmem_shared>> -> memref<10112x128xf32, #tpu.memory_space<vmem_shared>>
      tpu.wait_indirect_dma semaphore(%arg18 : memref<!tpu.dma_semaphore, #tpu.memory_space<semaphore_mem>>) src(%arg11 : memref<128x128xf32, #tpu.memory_space<vmem>>) dst(%dma_wait3A_67 : memref<10112x128xf32, #tpu.memory_space<vmem_shared>>)
      %add3A_68 = arith.constant 2 : i32
      %add3A_69 = arith.addi %mul3A_39, %add3A_68 : i32
      %lt3A = arith.constant 160 : i32
      %lt3A_70 = arith.cmpi slt, %add3A_69, %lt3A : i32
      %convert_element_type3A_71 = arith.extui %lt3A_70 : i1 to i32
      %cond3A_72 = arith.constant 0 : i32
      %cond3A_73 = arith.cmpi ne, %convert_element_type3A_71, %cond3A_72 : i32
      scf.if %cond3A_73 {
        %add3A_84 = arith.constant 2 : i32
        %add3A_85 = arith.addi %mul3A_39, %add3A_84 : i32
        %mul3A_86 = arith.constant 128 : i32
        %mul3A_87 = arith.muli %add3A_85, %mul3A_86 : i32
        %add3A_88 = arith.addi %mul3A_4, %mul3A_87 : i32
        %dma_start3A_89 = tpu.memref_slice %arg3[%add3A_88] : memref<655360xi32, #tpu.memory_space<hbm>> -> memref<128xi32, #tpu.memory_space<hbm>>
        %dma_start3A_90 = tpu.memref_slice %arg3[%add3A_88] : memref<655360xi32, #tpu.memory_space<hbm>> -> memref<128xi32, #tpu.memory_space<hbm>>
        tpu.enqueue_dma source(%dma_start3A_90 : memref<128xi32, #tpu.memory_space<hbm>>) target(%arg7 : memref<128xi32, #tpu.memory_space<vmem>>) target_semaphore(%arg14 : memref<!tpu.dma_semaphore, #tpu.memory_space<semaphore_mem>>)
        %mul3A_91 = arith.constant 128 : i32
        %mul3A_92 = arith.muli %add3A_85, %mul3A_91 : i32
        %add3A_93 = arith.addi %mul3A_4, %mul3A_92 : i32
        %dma_start3A_94 = tpu.memref_slice %arg4[%add3A_93] : memref<655360xi32, #tpu.memory_space<hbm>> -> memref<128xi32, #tpu.memory_space<hbm>>
        %dma_start3A_95 = tpu.memref_slice %arg4[%add3A_93] : memref<655360xi32, #tpu.memory_space<hbm>> -> memref<128xi32, #tpu.memory_space<hbm>>
        tpu.enqueue_dma source(%dma_start3A_95 : memref<128xi32, #tpu.memory_space<hbm>>) target(%arg8 : memref<128xi32, #tpu.memory_space<vmem>>) target_semaphore(%arg14 : memref<!tpu.dma_semaphore, #tpu.memory_space<semaphore_mem>>)
      } else {
      }
      %dma_wait3A_74 = arith.constant 0 : i32
      %dma_wait3A_75 = arith.constant 0 : i32
      %dma_wait3A_76 = tpu.memref_slice %arg13[%dma_wait3A_74, %dma_wait3A_75] : memref<10112x128xf32, #tpu.memory_space<vmem_shared>> -> memref<10112x128xf32, #tpu.memory_space<vmem_shared>>
      tpu.wait_indirect_dma semaphore(%arg19 : memref<!tpu.dma_semaphore, #tpu.memory_space<semaphore_mem>>) src(%arg12 : memref<128x128xf32, #tpu.memory_space<vmem>>) dst(%dma_wait3A_76 : memref<10112x128xf32, #tpu.memory_space<vmem_shared>>)
      %add3A_77 = arith.constant 3 : i32
      %add3A_78 = arith.addi %mul3A_39, %add3A_77 : i32
      %lt3A_79 = arith.constant 160 : i32
      %lt3A_80 = arith.cmpi slt, %add3A_78, %lt3A_79 : i32
      %convert_element_type3A_81 = arith.extui %lt3A_80 : i1 to i32
      %cond3A_82 = arith.constant 0 : i32
      %cond3A_83 = arith.cmpi ne, %convert_element_type3A_81, %cond3A_82 : i32
      scf.if %cond3A_83 {
        %add3A_84 = arith.constant 3 : i32
        %add3A_85 = arith.addi %mul3A_39, %add3A_84 : i32
        %mul3A_86 = arith.constant 128 : i32
        %mul3A_87 = arith.muli %add3A_85, %mul3A_86 : i32
        %add3A_88 = arith.addi %mul3A_4, %mul3A_87 : i32
        %dma_start3A_89 = tpu.memref_slice %arg3[%add3A_88] : memref<655360xi32, #tpu.memory_space<hbm>> -> memref<128xi32, #tpu.memory_space<hbm>>
        %dma_start3A_90 = tpu.memref_slice %arg3[%add3A_88] : memref<655360xi32, #tpu.memory_space<hbm>> -> memref<128xi32, #tpu.memory_space<hbm>>
        tpu.enqueue_dma source(%dma_start3A_90 : memref<128xi32, #tpu.memory_space<hbm>>) target(%arg9 : memref<128xi32, #tpu.memory_space<vmem>>) target_semaphore(%arg15 : memref<!tpu.dma_semaphore, #tpu.memory_space<semaphore_mem>>)
        %mul3A_91 = arith.constant 128 : i32
        %mul3A_92 = arith.muli %add3A_85, %mul3A_91 : i32
        %add3A_93 = arith.addi %mul3A_4, %mul3A_92 : i32
        %dma_start3A_94 = tpu.memref_slice %arg4[%add3A_93] : memref<655360xi32, #tpu.memory_space<hbm>> -> memref<128xi32, #tpu.memory_space<hbm>>
        %dma_start3A_95 = tpu.memref_slice %arg4[%add3A_93] : memref<655360xi32, #tpu.memory_space<hbm>> -> memref<128xi32, #tpu.memory_space<hbm>>
        tpu.enqueue_dma source(%dma_start3A_95 : memref<128xi32, #tpu.memory_space<hbm>>) target(%arg10 : memref<128xi32, #tpu.memory_space<vmem>>) target_semaphore(%arg15 : memref<!tpu.dma_semaphore, #tpu.memory_space<semaphore_mem>>)
      } else {
      }
    }
    %scan3A_26 = arith.constant 80 : i32
    %barrier3A_27 = arith.constant 0 : index
    tpu.barrier barrier_id(%barrier3A_27)
    %mul3A_28 = arith.constant 10000 : i32
    %mul3A_29 = arith.muli %arg0, %mul3A_28 : i32
    %mul3A_30 = arith.constant 624 : i32
    %mul3A_31 = arith.muli %arg1, %mul3A_30 : i32
    %add3A_32 = arith.addi %mul3A_29, %mul3A_31 : i32
    %mul3A_33 = arith.constant 624 : i32
    %mul3A_34 = arith.muli %arg1, %mul3A_33 : i32
    "tpu.region"() ({
      %run_scoped3A = tpu.sem_alloc : memref<!tpu.dma_semaphore, #tpu.memory_space<semaphore_mem>>
      %dma_start3A_37 = arith.constant 0 : i32
      %dma_start3A_38 = tpu.memref_slice %arg6[%add3A_32, %dma_start3A_37] : memref<20000x128xf32, #tpu.memory_space<hbm>> -> memref<624x128xf32, #tpu.memory_space<hbm>>
      %dma_start3A_39 = arith.constant 0 : i32
      %dma_start3A_40 = tpu.memref_slice %arg13[%mul3A_34, %dma_start3A_39] : memref<10112x128xf32, #tpu.memory_space<vmem_shared>> -> memref<624x128xf32, #tpu.memory_space<vmem_shared>>
      tpu.enqueue_dma source(%dma_start3A_40 : memref<624x128xf32, #tpu.memory_space<vmem_shared>>) target(%dma_start3A_38 : memref<624x128xf32, #tpu.memory_space<hbm>>) target_semaphore(%run_scoped3A : memref<!tpu.dma_semaphore, #tpu.memory_space<semaphore_mem>>)
      %dma_wait3A = arith.constant 0 : i32
      %dma_wait3A_41 = tpu.memref_slice %arg6[%add3A_32, %dma_wait3A] : memref<20000x128xf32, #tpu.memory_space<hbm>> -> memref<624x128xf32, #tpu.memory_space<hbm>>
      %dma_wait3A_42 = arith.constant 0 : i32
      %dma_wait3A_43 = tpu.memref_slice %arg13[%mul3A_34, %dma_wait3A_42] : memref<10112x128xf32, #tpu.memory_space<vmem_shared>> -> memref<624x128xf32, #tpu.memory_space<vmem_shared>>
      tpu.wait_dma2 semaphore(%run_scoped3A : memref<!tpu.dma_semaphore, #tpu.memory_space<semaphore_mem>>) src(%dma_wait3A_43 : memref<624x128xf32, #tpu.memory_space<vmem_shared>>) dst(%dma_wait3A_41 : memref<624x128xf32, #tpu.memory_space<hbm>>)
      tpu.yield
    }) : () -> ()
    %eq3A = arith.constant 15 : i32
    %eq3A_35 = arith.cmpi eq, %arg1, %eq3A : i32
    %convert_element_type3A = arith.extui %eq3A_35 : i1 to i32
    %cond3A = arith.constant 0 : i32
    %cond3A_36 = arith.cmpi ne, %convert_element_type3A, %cond3A : i32
    scf.if %cond3A_36 {
      %mul3A_37 = arith.constant 10000 : i32
      %mul3A_38 = arith.muli %arg0, %mul3A_37 : i32
      %add3A_39 = arith.constant 9984 : i32
      %add3A_40 = arith.addi %mul3A_38, %add3A_39 : i32
      "tpu.region"() ({
        %run_scoped3A = tpu.sem_alloc : memref<!tpu.dma_semaphore, #tpu.memory_space<semaphore_mem>>
        %dma_start3A_41 = arith.constant 0 : i32
        %dma_start3A_42 = tpu.memref_slice %arg6[%add3A_40, %dma_start3A_41] : memref<20000x128xf32, #tpu.memory_space<hbm>> -> memref<16x128xf32, #tpu.memory_space<hbm>>
        %dma_start3A_43 = arith.constant 9984 : i32
        %dma_start3A_44 = arith.constant 0 : i32
        %dma_start3A_45 = tpu.memref_slice %arg13[%dma_start3A_43, %dma_start3A_44] : memref<10112x128xf32, #tpu.memory_space<vmem_shared>> -> memref<16x128xf32, #tpu.memory_space<vmem_shared>>
        tpu.enqueue_dma source(%dma_start3A_45 : memref<16x128xf32, #tpu.memory_space<vmem_shared>>) target(%dma_start3A_42 : memref<16x128xf32, #tpu.memory_space<hbm>>) target_semaphore(%run_scoped3A : memref<!tpu.dma_semaphore, #tpu.memory_space<semaphore_mem>>)
        %dma_wait3A = arith.constant 0 : i32
        %dma_wait3A_46 = tpu.memref_slice %arg6[%add3A_40, %dma_wait3A] : memref<20000x128xf32, #tpu.memory_space<hbm>> -> memref<16x128xf32, #tpu.memory_space<hbm>>
        %dma_wait3A_47 = arith.constant 9984 : i32
        %dma_wait3A_48 = arith.constant 0 : i32
        %dma_wait3A_49 = tpu.memref_slice %arg13[%dma_wait3A_47, %dma_wait3A_48] : memref<10112x128xf32, #tpu.memory_space<vmem_shared>> -> memref<16x128xf32, #tpu.memory_space<vmem_shared>>
        tpu.wait_dma2 semaphore(%run_scoped3A : memref<!tpu.dma_semaphore, #tpu.memory_space<semaphore_mem>>) src(%dma_wait3A_49 : memref<16x128xf32, #tpu.memory_space<vmem_shared>>) dst(%dma_wait3A_46 : memref<16x128xf32, #tpu.memory_space<hbm>>)
        tpu.yield
      }) : () -> ()
    } else {
    }
    return
  }
}

#map = affine_map<(d0, d1) -> (0)>
#map1 = affine_map<(d0, d1) -> (0, 0)>
module attributes {stable_mosaic.version = 14 : i64} {
  func.func @_sc_deg_body(%arg0: i32, %arg1: i32, %arg2: memref<655360xi32, #tpu.memory_space<hbm>>, %arg3: memref<632x128xf32, #tpu.memory_space<hbm>>, %arg4: memref<128x128xf32, #tpu.memory_space<hbm>>, %arg5: memref<20000x128xf32, #tpu.memory_space<hbm>>, %arg6: memref<128xi32, #tpu.memory_space<vmem>>, %arg7: memref<128xi32, #tpu.memory_space<vmem>>, %arg8: memref<128x128xf32, #tpu.memory_space<vmem>>, %arg9: memref<10112x128xf32, #tpu.memory_space<vmem_shared>>, %arg10: memref<!tpu.dma_semaphore, #tpu.memory_space<semaphore_mem>>, %arg11: memref<!tpu.dma_semaphore, #tpu.memory_space<semaphore_mem>>, %arg12: memref<!tpu.dma_semaphore, #tpu.memory_space<semaphore_mem>>, %arg13: memref<!tpu.dma_semaphore, #tpu.memory_space<semaphore_mem>>) attributes {dimension_semantics = [#tpu.dimension_semantics<core_parallel>, #tpu.dimension_semantics<subcore_parallel>], iteration_bounds = array<i64: 2, 16>, scalar_prefetch = 0 : i64, scratch_operands = 8 : i64, tpu.core_type = #tpu.core_type<sc_vector_subcore>, window_params = [{transform_indices = #map}, {transform_indices = #map1}, {transform_indices = #map1}, {transform_indices = #map1}]} {
    %mul3A = arith.constant 16 : i32
    %mul3A_0 = arith.muli %arg0, %mul3A : i32
    %add3A = arith.addi %mul3A_0, %arg1 : i32
    %mul3A_1 = arith.constant 160 : i32
    %mul3A_2 = arith.muli %add3A, %mul3A_1 : i32
    %mul3A_3 = arith.constant 128 : i32
    %mul3A_4 = arith.muli %mul3A_2, %mul3A_3 : i32
    %mul3A_5 = arith.constant 632 : i32
    %mul3A_6 = arith.muli %arg1, %mul3A_5 : i32
    "tpu.region"() ({
      %run_scoped3A = tpu.sem_alloc : memref<!tpu.dma_semaphore, #tpu.memory_space<semaphore_mem>>
      %dma_start3A_29 = arith.constant 0 : i32
      %dma_start3A_30 = tpu.memref_slice %arg9[%mul3A_6, %dma_start3A_29] : memref<10112x128xf32, #tpu.memory_space<vmem_shared>> -> memref<632x128xf32, #tpu.memory_space<vmem_shared>>
      tpu.enqueue_dma source(%arg3 : memref<632x128xf32, #tpu.memory_space<hbm>>) target(%dma_start3A_30 : memref<632x128xf32, #tpu.memory_space<vmem_shared>>) target_semaphore(%run_scoped3A : memref<!tpu.dma_semaphore, #tpu.memory_space<semaphore_mem>>)
      %dma_wait3A = arith.constant 0 : i32
      %dma_wait3A_31 = tpu.memref_slice %arg9[%mul3A_6, %dma_wait3A] : memref<10112x128xf32, #tpu.memory_space<vmem_shared>> -> memref<632x128xf32, #tpu.memory_space<vmem_shared>>
      tpu.wait_dma2 semaphore(%run_scoped3A : memref<!tpu.dma_semaphore, #tpu.memory_space<semaphore_mem>>) src(%arg3 : memref<632x128xf32, #tpu.memory_space<hbm>>) dst(%dma_wait3A_31 : memref<632x128xf32, #tpu.memory_space<vmem_shared>>)
      tpu.yield
    }) : () -> ()
    "tpu.region"() ({
      %run_scoped3A = tpu.sem_alloc : memref<!tpu.dma_semaphore, #tpu.memory_space<semaphore_mem>>
      tpu.enqueue_dma source(%arg4 : memref<128x128xf32, #tpu.memory_space<hbm>>) target(%arg8 : memref<128x128xf32, #tpu.memory_space<vmem>>) target_semaphore(%run_scoped3A : memref<!tpu.dma_semaphore, #tpu.memory_space<semaphore_mem>>)
      tpu.wait_dma2 semaphore(%run_scoped3A : memref<!tpu.dma_semaphore, #tpu.memory_space<semaphore_mem>>) src(%arg4 : memref<128x128xf32, #tpu.memory_space<hbm>>) dst(%arg8 : memref<128x128xf32, #tpu.memory_space<vmem>>)
      tpu.yield
    }) : () -> ()
    %add3A_7 = arith.constant 0 : i32
    %add3A_8 = arith.addi %mul3A_4, %add3A_7 : i32
    %dma_start3A = tpu.memref_slice %arg2[%add3A_8] : memref<655360xi32, #tpu.memory_space<hbm>> -> memref<128xi32, #tpu.memory_space<hbm>>
    %dma_start3A_9 = tpu.memref_slice %arg2[%add3A_8] : memref<655360xi32, #tpu.memory_space<hbm>> -> memref<128xi32, #tpu.memory_space<hbm>>
    tpu.enqueue_dma source(%dma_start3A_9 : memref<128xi32, #tpu.memory_space<hbm>>) target(%arg6 : memref<128xi32, #tpu.memory_space<vmem>>) target_semaphore(%arg10 : memref<!tpu.dma_semaphore, #tpu.memory_space<semaphore_mem>>)
    %add3A_10 = arith.constant 128 : i32
    %add3A_11 = arith.addi %mul3A_4, %add3A_10 : i32
    %dma_start3A_12 = tpu.memref_slice %arg2[%add3A_11] : memref<655360xi32, #tpu.memory_space<hbm>> -> memref<128xi32, #tpu.memory_space<hbm>>
    %dma_start3A_13 = tpu.memref_slice %arg2[%add3A_11] : memref<655360xi32, #tpu.memory_space<hbm>> -> memref<128xi32, #tpu.memory_space<hbm>>
    tpu.enqueue_dma source(%dma_start3A_13 : memref<128xi32, #tpu.memory_space<hbm>>) target(%arg7 : memref<128xi32, #tpu.memory_space<vmem>>) target_semaphore(%arg11 : memref<!tpu.dma_semaphore, #tpu.memory_space<semaphore_mem>>)
    %barrier3A = arith.constant 0 : index
    tpu.barrier barrier_id(%barrier3A)
    %scan3A = arith.constant 0 : i32
    %scan3A_14 = arith.constant 0 : i32
    %scan3A_15 = arith.constant 80 : i32
    %scan3A_16 = arith.addi %scan3A_14, %scan3A_15 : i32
    %scan3A_17 = arith.constant 1 : i32
    scf.for %scan3A_29 = %scan3A_14 to %scan3A_16 step %scan3A_17  : i32 {
      %mul3A_30 = arith.constant 2 : i32
      %mul3A_31 = arith.muli %mul3A_30, %scan3A_29 : i32
      %dma_wait3A = tpu.memref_slice %arg2[%mul3A_4] : memref<655360xi32, #tpu.memory_space<hbm>> -> memref<128xi32, #tpu.memory_space<hbm>>
      %dma_wait3A_32 = tpu.memref_slice %arg2[%mul3A_4] : memref<655360xi32, #tpu.memory_space<hbm>> -> memref<128xi32, #tpu.memory_space<hbm>>
      tpu.wait_dma2 semaphore(%arg10 : memref<!tpu.dma_semaphore, #tpu.memory_space<semaphore_mem>>) src(%dma_wait3A_32 : memref<128xi32, #tpu.memory_space<hbm>>) dst(%arg6 : memref<128xi32, #tpu.memory_space<vmem>>)
      %dma_start3A_33 = arith.constant 0 : i32
      %dma_start3A_34 = arith.constant 0 : i32
      %dma_start3A_35 = tpu.memref_slice %arg9[%dma_start3A_33, %dma_start3A_34] : memref<10112x128xf32, #tpu.memory_space<vmem_shared>> -> memref<10112x128xf32, #tpu.memory_space<vmem_shared>>
      tpu.enqueue_indirect_dma source(%arg8 : memref<128x128xf32, #tpu.memory_space<vmem>>) target(%dma_start3A_35 : memref<10112x128xf32, #tpu.memory_space<vmem_shared>>) offsets(%arg6 : memref<128xi32, #tpu.memory_space<vmem>>) semaphore(%arg12 : memref<!tpu.dma_semaphore, #tpu.memory_space<semaphore_mem>>) {add = true}
      %dma_wait3A_36 = tpu.memref_slice %arg2[%mul3A_4] : memref<655360xi32, #tpu.memory_space<hbm>> -> memref<128xi32, #tpu.memory_space<hbm>>
      %dma_wait3A_37 = tpu.memref_slice %arg2[%mul3A_4] : memref<655360xi32, #tpu.memory_space<hbm>> -> memref<128xi32, #tpu.memory_space<hbm>>
      tpu.wait_dma2 semaphore(%arg11 : memref<!tpu.dma_semaphore, #tpu.memory_space<semaphore_mem>>) src(%dma_wait3A_37 : memref<128xi32, #tpu.memory_space<hbm>>) dst(%arg7 : memref<128xi32, #tpu.memory_space<vmem>>)
      %dma_start3A_38 = arith.constant 0 : i32
      %dma_start3A_39 = arith.constant 0 : i32
      %dma_start3A_40 = tpu.memref_slice %arg9[%dma_start3A_38, %dma_start3A_39] : memref<10112x128xf32, #tpu.memory_space<vmem_shared>> -> memref<10112x128xf32, #tpu.memory_space<vmem_shared>>
      tpu.enqueue_indirect_dma source(%arg8 : memref<128x128xf32, #tpu.memory_space<vmem>>) target(%dma_start3A_40 : memref<10112x128xf32, #tpu.memory_space<vmem_shared>>) offsets(%arg7 : memref<128xi32, #tpu.memory_space<vmem>>) semaphore(%arg13 : memref<!tpu.dma_semaphore, #tpu.memory_space<semaphore_mem>>) {add = true}
      %dma_wait3A_41 = arith.constant 0 : i32
      %dma_wait3A_42 = arith.constant 0 : i32
      %dma_wait3A_43 = tpu.memref_slice %arg9[%dma_wait3A_41, %dma_wait3A_42] : memref<10112x128xf32, #tpu.memory_space<vmem_shared>> -> memref<10112x128xf32, #tpu.memory_space<vmem_shared>>
      tpu.wait_indirect_dma semaphore(%arg12 : memref<!tpu.dma_semaphore, #tpu.memory_space<semaphore_mem>>) src(%arg8 : memref<128x128xf32, #tpu.memory_space<vmem>>) dst(%dma_wait3A_43 : memref<10112x128xf32, #tpu.memory_space<vmem_shared>>)
      %add3A_44 = arith.constant 2 : i32
      %add3A_45 = arith.addi %mul3A_31, %add3A_44 : i32
      %lt3A = arith.constant 160 : i32
      %lt3A_46 = arith.cmpi slt, %add3A_45, %lt3A : i32
      %convert_element_type3A_47 = arith.extui %lt3A_46 : i1 to i32
      %cond3A_48 = arith.constant 0 : i32
      %cond3A_49 = arith.cmpi ne, %convert_element_type3A_47, %cond3A_48 : i32
      scf.if %cond3A_49 {
        %add3A_60 = arith.constant 2 : i32
        %add3A_61 = arith.addi %mul3A_31, %add3A_60 : i32
        %mul3A_62 = arith.constant 128 : i32
        %mul3A_63 = arith.muli %add3A_61, %mul3A_62 : i32
        %add3A_64 = arith.addi %mul3A_4, %mul3A_63 : i32
        %dma_start3A_65 = tpu.memref_slice %arg2[%add3A_64] : memref<655360xi32, #tpu.memory_space<hbm>> -> memref<128xi32, #tpu.memory_space<hbm>>
        %dma_start3A_66 = tpu.memref_slice %arg2[%add3A_64] : memref<655360xi32, #tpu.memory_space<hbm>> -> memref<128xi32, #tpu.memory_space<hbm>>
        tpu.enqueue_dma source(%dma_start3A_66 : memref<128xi32, #tpu.memory_space<hbm>>) target(%arg6 : memref<128xi32, #tpu.memory_space<vmem>>) target_semaphore(%arg10 : memref<!tpu.dma_semaphore, #tpu.memory_space<semaphore_mem>>)
      } else {
      }
      %dma_wait3A_50 = arith.constant 0 : i32
      %dma_wait3A_51 = arith.constant 0 : i32
      %dma_wait3A_52 = tpu.memref_slice %arg9[%dma_wait3A_50, %dma_wait3A_51] : memref<10112x128xf32, #tpu.memory_space<vmem_shared>> -> memref<10112x128xf32, #tpu.memory_space<vmem_shared>>
      tpu.wait_indirect_dma semaphore(%arg13 : memref<!tpu.dma_semaphore, #tpu.memory_space<semaphore_mem>>) src(%arg8 : memref<128x128xf32, #tpu.memory_space<vmem>>) dst(%dma_wait3A_52 : memref<10112x128xf32, #tpu.memory_space<vmem_shared>>)
      %add3A_53 = arith.constant 3 : i32
      %add3A_54 = arith.addi %mul3A_31, %add3A_53 : i32
      %lt3A_55 = arith.constant 160 : i32
      %lt3A_56 = arith.cmpi slt, %add3A_54, %lt3A_55 : i32
      %convert_element_type3A_57 = arith.extui %lt3A_56 : i1 to i32
      %cond3A_58 = arith.constant 0 : i32
      %cond3A_59 = arith.cmpi ne, %convert_element_type3A_57, %cond3A_58 : i32
      scf.if %cond3A_59 {
        %add3A_60 = arith.constant 3 : i32
        %add3A_61 = arith.addi %mul3A_31, %add3A_60 : i32
        %mul3A_62 = arith.constant 128 : i32
        %mul3A_63 = arith.muli %add3A_61, %mul3A_62 : i32
        %add3A_64 = arith.addi %mul3A_4, %mul3A_63 : i32
        %dma_start3A_65 = tpu.memref_slice %arg2[%add3A_64] : memref<655360xi32, #tpu.memory_space<hbm>> -> memref<128xi32, #tpu.memory_space<hbm>>
        %dma_start3A_66 = tpu.memref_slice %arg2[%add3A_64] : memref<655360xi32, #tpu.memory_space<hbm>> -> memref<128xi32, #tpu.memory_space<hbm>>
        tpu.enqueue_dma source(%dma_start3A_66 : memref<128xi32, #tpu.memory_space<hbm>>) target(%arg7 : memref<128xi32, #tpu.memory_space<vmem>>) target_semaphore(%arg11 : memref<!tpu.dma_semaphore, #tpu.memory_space<semaphore_mem>>)
      } else {
      }
    }
    %scan3A_18 = arith.constant 80 : i32
    %barrier3A_19 = arith.constant 0 : index
    tpu.barrier barrier_id(%barrier3A_19)
    %mul3A_20 = arith.constant 10000 : i32
    %mul3A_21 = arith.muli %arg0, %mul3A_20 : i32
    %mul3A_22 = arith.constant 624 : i32
    %mul3A_23 = arith.muli %arg1, %mul3A_22 : i32
    %add3A_24 = arith.addi %mul3A_21, %mul3A_23 : i32
    %mul3A_25 = arith.constant 624 : i32
    %mul3A_26 = arith.muli %arg1, %mul3A_25 : i32
    "tpu.region"() ({
      %run_scoped3A = tpu.sem_alloc : memref<!tpu.dma_semaphore, #tpu.memory_space<semaphore_mem>>
      %dma_start3A_29 = arith.constant 0 : i32
      %dma_start3A_30 = tpu.memref_slice %arg5[%add3A_24, %dma_start3A_29] : memref<20000x128xf32, #tpu.memory_space<hbm>> -> memref<624x128xf32, #tpu.memory_space<hbm>>
      %dma_start3A_31 = arith.constant 0 : i32
      %dma_start3A_32 = tpu.memref_slice %arg9[%mul3A_26, %dma_start3A_31] : memref<10112x128xf32, #tpu.memory_space<vmem_shared>> -> memref<624x128xf32, #tpu.memory_space<vmem_shared>>
      tpu.enqueue_dma source(%dma_start3A_32 : memref<624x128xf32, #tpu.memory_space<vmem_shared>>) target(%dma_start3A_30 : memref<624x128xf32, #tpu.memory_space<hbm>>) target_semaphore(%run_scoped3A : memref<!tpu.dma_semaphore, #tpu.memory_space<semaphore_mem>>)
      %dma_wait3A = arith.constant 0 : i32
      %dma_wait3A_33 = tpu.memref_slice %arg5[%add3A_24, %dma_wait3A] : memref<20000x128xf32, #tpu.memory_space<hbm>> -> memref<624x128xf32, #tpu.memory_space<hbm>>
      %dma_wait3A_34 = arith.constant 0 : i32
      %dma_wait3A_35 = tpu.memref_slice %arg9[%mul3A_26, %dma_wait3A_34] : memref<10112x128xf32, #tpu.memory_space<vmem_shared>> -> memref<624x128xf32, #tpu.memory_space<vmem_shared>>
      tpu.wait_dma2 semaphore(%run_scoped3A : memref<!tpu.dma_semaphore, #tpu.memory_space<semaphore_mem>>) src(%dma_wait3A_35 : memref<624x128xf32, #tpu.memory_space<vmem_shared>>) dst(%dma_wait3A_33 : memref<624x128xf32, #tpu.memory_space<hbm>>)
      tpu.yield
    }) : () -> ()
    %eq3A = arith.constant 15 : i32
    %eq3A_27 = arith.cmpi eq, %arg1, %eq3A : i32
    %convert_element_type3A = arith.extui %eq3A_27 : i1 to i32
    %cond3A = arith.constant 0 : i32
    %cond3A_28 = arith.cmpi ne, %convert_element_type3A, %cond3A : i32
    scf.if %cond3A_28 {
      %mul3A_29 = arith.constant 10000 : i32
      %mul3A_30 = arith.muli %arg0, %mul3A_29 : i32
      %add3A_31 = arith.constant 9984 : i32
      %add3A_32 = arith.addi %mul3A_30, %add3A_31 : i32
      "tpu.region"() ({
        %run_scoped3A = tpu.sem_alloc : memref<!tpu.dma_semaphore, #tpu.memory_space<semaphore_mem>>
        %dma_start3A_33 = arith.constant 0 : i32
        %dma_start3A_34 = tpu.memref_slice %arg5[%add3A_32, %dma_start3A_33] : memref<20000x128xf32, #tpu.memory_space<hbm>> -> memref<16x128xf32, #tpu.memory_space<hbm>>
        %dma_start3A_35 = arith.constant 9984 : i32
        %dma_start3A_36 = arith.constant 0 : i32
        %dma_start3A_37 = tpu.memref_slice %arg9[%dma_start3A_35, %dma_start3A_36] : memref<10112x128xf32, #tpu.memory_space<vmem_shared>> -> memref<16x128xf32, #tpu.memory_space<vmem_shared>>
        tpu.enqueue_dma source(%dma_start3A_37 : memref<16x128xf32, #tpu.memory_space<vmem_shared>>) target(%dma_start3A_34 : memref<16x128xf32, #tpu.memory_space<hbm>>) target_semaphore(%run_scoped3A : memref<!tpu.dma_semaphore, #tpu.memory_space<semaphore_mem>>)
        %dma_wait3A = arith.constant 0 : i32
        %dma_wait3A_38 = tpu.memref_slice %arg5[%add3A_32, %dma_wait3A] : memref<20000x128xf32, #tpu.memory_space<hbm>> -> memref<16x128xf32, #tpu.memory_space<hbm>>
        %dma_wait3A_39 = arith.constant 9984 : i32
        %dma_wait3A_40 = arith.constant 0 : i32
        %dma_wait3A_41 = tpu.memref_slice %arg9[%dma_wait3A_39, %dma_wait3A_40] : memref<10112x128xf32, #tpu.memory_space<vmem_shared>> -> memref<16x128xf32, #tpu.memory_space<vmem_shared>>
        tpu.wait_dma2 semaphore(%run_scoped3A : memref<!tpu.dma_semaphore, #tpu.memory_space<semaphore_mem>>) src(%dma_wait3A_41 : memref<16x128xf32, #tpu.memory_space<vmem_shared>>) dst(%dma_wait3A_38 : memref<16x128xf32, #tpu.memory_space<hbm>>)
        tpu.yield
      }) : () -> ()
    } else {
    }
    return
  }
}

module attributes {stable_mosaic.version = 14 : i64} {
  func.func @_tc1_body(%arg0: i32, %arg1: memref<2000x128xf32, #tpu.memory_space<vmem>>, %arg2: memref<128x128xf32, #tpu.memory_space<vmem>>, %arg3: memref<1x128xf32, #tpu.memory_space<vmem>>, %arg4: memref<128x128xf32, #tpu.memory_space<vmem>>, %arg5: memref<2000x128xf32, #tpu.memory_space<vmem>>) attributes {dimension_semantics = [#tpu.dimension_semantics<arbitrary>], iteration_bounds = array<i64: 10>, scalar_prefetch = 0 : i64, scratch_operands = 0 : i64, tpu.core_type = #tpu.core_type<tc>, window_params = [{transform_indices = @transform_0, window_bounds = array<i64: 2000, 128>}, {pipeline_mode = #tpu.pipeline_mode<synchronous>, transform_indices = @transform_1, window_bounds = array<i64: 128, 128>}, {pipeline_mode = #tpu.pipeline_mode<synchronous>, transform_indices = @transform_2, window_bounds = array<i64: 1, 128>}, {pipeline_mode = #tpu.pipeline_mode<synchronous>, transform_indices = @transform_3, window_bounds = array<i64: 128, 128>}, {transform_indices = @transform_4, window_bounds = array<i64: 2000, 128>}]} {
    %get3A = arith.constant 0 : index
    %get3A_0 = arith.constant 0 : index
    %get3A_1 = vector.load %arg1[%get3A, %get3A_0] : memref<2000x128xf32, #tpu.memory_space<vmem>>, vector<2000x128xf32>
    %get3A_2 = arith.constant 0 : index
    %get3A_3 = arith.constant 0 : index
    %get3A_4 = vector.load %arg2[%get3A_2, %get3A_3] : memref<128x128xf32, #tpu.memory_space<vmem>>, vector<128x128xf32>
    %dot_general3A = arith.constant dense<0.000000e+00> : vector<2000x128xf32>
    %dot_general3A_5 = tpu.matmul %get3A_1, %get3A_4, %dot_general3A {dimension_numbers = #tpu.dot_dimension_numbers<[1], [0], [0], [1], [0, 0, 1, 1], [], []>, transpose_lhs_hint = false} : vector<2000x128xf32>, vector<128x128xf32>, vector<2000x128xf32> -> vector<2000x128xf32>
    %get3A_6 = arith.constant 0 : index
    %get3A_7 = arith.constant 0 : index
    %get3A_8 = vector.load %arg3[%get3A_6, %get3A_7] : memref<1x128xf32, #tpu.memory_space<vmem>>, vector<1x128xf32>
    %add3A = vector.broadcast %get3A_8 : vector<1x128xf32> to vector<2000x128xf32>
    %add3A_9 = arith.addf %dot_general3A_5, %add3A : vector<2000x128xf32>
    %get3A_10 = arith.constant 0 : index
    %get3A_11 = arith.constant 0 : index
    %get3A_12 = vector.load %arg4[%get3A_10, %get3A_11] : memref<128x128xf32, #tpu.memory_space<vmem>>, vector<128x128xf32>
    %dot_general3A_13 = arith.constant dense<0.000000e+00> : vector<2000x128xf32>
    %dot_general3A_14 = tpu.matmul %add3A_9, %get3A_12, %dot_general3A_13 {dimension_numbers = #tpu.dot_dimension_numbers<[1], [0], [0], [1], [0, 0, 1, 1], [], []>, transpose_lhs_hint = false} : vector<2000x128xf32>, vector<128x128xf32>, vector<2000x128xf32> -> vector<2000x128xf32>
    %swap3A = arith.constant 0 : index
    %swap3A_15 = arith.constant 0 : index
    %swap3A_16 = vector.load %arg5[%swap3A, %swap3A_15] : memref<2000x128xf32, #tpu.memory_space<vmem>>, vector<2000x128xf32>
    tpu.vector_store %arg5[%swap3A, %swap3A_15], %dot_general3A_14 {strides = array<i32>} : memref<2000x128xf32, #tpu.memory_space<vmem>>, vector<2000x128xf32>,
    return
  }
  func.func @transform_0(%arg0: i32) -> (i32, i32) {
    %c0_i32 = arith.constant 0 : i32
    %c0_i32_0 = arith.constant 0 : i32
    return %arg0, %c0_i32 : i32, i32
  }
  func.func @transform_1(%arg0: i32) -> (i32, i32) {
    %c0_i32 = arith.constant 0 : i32
    %c0_i32_0 = arith.constant 0 : i32
    %c0_i32_1 = arith.constant 0 : i32
    return %c0_i32, %c0_i32_0 : i32, i32
  }
  func.func @transform_2(%arg0: i32) -> (i32, i32) {
    %c0_i32 = arith.constant 0 : i32
    %c0_i32_0 = arith.constant 0 : i32
    %c0_i32_1 = arith.constant 0 : i32
    return %c0_i32, %c0_i32_0 : i32, i32
  }
  func.func @transform_3(%arg0: i32) -> (i32, i32) {
    %c0_i32 = arith.constant 0 : i32
    %c0_i32_0 = arith.constant 0 : i32
    %c0_i32_1 = arith.constant 0 : i32
    return %c0_i32, %c0_i32_0 : i32, i32
  }
  func.func @transform_4(%arg0: i32) -> (i32, i32) {
    %c0_i32 = arith.constant 0 : i32
    %c0_i32_0 = arith.constant 0 : i32
    return %arg0, %c0_i32 : i32, i32
  }
}

module attributes {stable_mosaic.version = 14 : i64} {
  func.func @_tc2_body(%arg0: i32, %arg1: memref<1x10000x128xf32, #tpu.memory_space<vmem>>, %arg2: memref<1x10000x128xf32, #tpu.memory_space<vmem>>, %arg3: memref<1x10000x128xf32, #tpu.memory_space<vmem>>, %arg4: memref<1x128xf32, #tpu.memory_space<vmem>>, %arg5: memref<1x128xf32, #tpu.memory_space<vmem>>, %arg6: memref<1x128xf32, #tpu.memory_space<vmem>>, %arg7: memref<128x128xf32, #tpu.memory_space<vmem>>, %arg8: memref<1x10000x128xf32, #tpu.memory_space<vmem>>) attributes {dimension_semantics = [#tpu.dimension_semantics<arbitrary>], iteration_bounds = array<i64: 2>, scalar_prefetch = 0 : i64, scratch_operands = 0 : i64, tpu.core_type = #tpu.core_type<tc>, window_params = [{transform_indices = @transform_0, window_bounds = array<i64: 1, 10000, 128>}, {transform_indices = @transform_1, window_bounds = array<i64: 1, 10000, 128>}, {transform_indices = @transform_2, window_bounds = array<i64: 1, 10000, 128>}, {pipeline_mode = #tpu.pipeline_mode<synchronous>, transform_indices = @transform_3, window_bounds = array<i64: 1, 128>}, {pipeline_mode = #tpu.pipeline_mode<synchronous>, transform_indices = @transform_4, window_bounds = array<i64: 1, 128>}, {pipeline_mode = #tpu.pipeline_mode<synchronous>, transform_indices = @transform_5, window_bounds = array<i64: 1, 128>}, {pipeline_mode = #tpu.pipeline_mode<synchronous>, transform_indices = @transform_6, window_bounds = array<i64: 128, 128>}, {transform_indices = @transform_7, window_bounds = array<i64: 1, 10000, 128>}]} {
    %get3A = arith.constant 0 : index
    %get3A_0 = arith.constant 0 : index
    %get3A_1 = arith.constant 0 : index
    %get3A_2 = vector.load %arg3[%get3A, %get3A_0, %get3A_1] : memref<1x10000x128xf32, #tpu.memory_space<vmem>>, vector<1x10000x1xf32>
    %get3A_3 = vector.shape_cast %get3A_2 : vector<1x10000x1xf32> to vector<10000x1xf32>
    %max3A = arith.constant 1.000000e+00 : f32
    %max3A_4 = vector.broadcast %max3A : f32 to vector<10000x1xf32>
    %max3A_5 = arith.maximumf %get3A_3, %max3A_4 : vector<10000x1xf32>
    %div3A = arith.constant 1.000000e+00 : f32
    %div3A_6 = vector.broadcast %div3A : f32 to vector<10000x1xf32>
    %div3A_7 = arith.divf %div3A_6, %max3A_5 : vector<10000x1xf32>
    %get3A_8 = arith.constant 0 : index
    %get3A_9 = arith.constant 0 : index
    %get3A_10 = arith.constant 0 : index
    %get3A_11 = vector.load %arg1[%get3A_8, %get3A_9, %get3A_10] : memref<1x10000x128xf32, #tpu.memory_space<vmem>>, vector<1x10000x128xf32>
    %get3A_12 = vector.shape_cast %get3A_11 : vector<1x10000x128xf32> to vector<10000x128xf32>
    %get3A_13 = arith.constant 0 : index
    %get3A_14 = arith.constant 0 : index
    %get3A_15 = arith.constant 0 : index
    %get3A_16 = vector.load %arg2[%get3A_13, %get3A_14, %get3A_15] : memref<1x10000x128xf32, #tpu.memory_space<vmem>>, vector<1x10000x128xf32>
    %get3A_17 = vector.shape_cast %get3A_16 : vector<1x10000x128xf32> to vector<10000x128xf32>
    %mul3A = vector.broadcast %div3A_7 : vector<10000x1xf32> to vector<10000x128xf32>
    %mul3A_18 = arith.mulf %get3A_17, %mul3A : vector<10000x128xf32>
    %add3A = arith.addf %get3A_12, %mul3A_18 : vector<10000x128xf32>
    %get3A_19 = arith.constant 0 : index
    %get3A_20 = arith.constant 0 : index
    %get3A_21 = vector.load %arg4[%get3A_19, %get3A_20] : memref<1x128xf32, #tpu.memory_space<vmem>>, vector<1x128xf32>
    %add3A_22 = vector.broadcast %get3A_21 : vector<1x128xf32> to vector<10000x128xf32>
    %add3A_23 = arith.addf %add3A, %add3A_22 : vector<10000x128xf32>
    %get3A_24 = arith.constant 0 : index
    %get3A_25 = arith.constant 0 : index
    %get3A_26 = vector.load %arg5[%get3A_24, %get3A_25] : memref<1x128xf32, #tpu.memory_space<vmem>>, vector<1x128xf32>
    %get3A_27 = arith.constant 0 : index
    %get3A_28 = arith.constant 0 : index
    %get3A_29 = vector.load %arg6[%get3A_27, %get3A_28] : memref<1x128xf32, #tpu.memory_space<vmem>>, vector<1x128xf32>
    %reduce_sum3A = arith.constant dense<0.000000e+00> : vector<128xf32>
    %reduce_sum3A_30 = vector.multi_reduction <add>, %add3A_23, %reduce_sum3A [0] : vector<10000x128xf32> to vector<128xf32>
    %broadcast_in_dim3A = vector.shape_cast %reduce_sum3A_30 : vector<128xf32> to vector<1x128xf32>
    %div3A_31 = arith.constant 1.000000e+04 : f32
    %div3A_32 = vector.broadcast %div3A_31 : f32 to vector<1x128xf32>
    %div3A_33 = arith.divf %broadcast_in_dim3A, %div3A_32 : vector<1x128xf32>
    %sub3A = vector.broadcast %div3A_33 : vector<1x128xf32> to vector<10000x128xf32>
    %sub3A_34 = arith.subf %add3A_23, %sub3A : vector<10000x128xf32>
    %integer_pow3A = arith.mulf %sub3A_34, %sub3A_34 : vector<10000x128xf32>
    %reduce_sum3A_35 = arith.constant dense<0.000000e+00> : vector<128xf32>
    %reduce_sum3A_36 = vector.multi_reduction <add>, %integer_pow3A, %reduce_sum3A_35 [0] : vector<10000x128xf32> to vector<128xf32>
    %broadcast_in_dim3A_37 = vector.shape_cast %reduce_sum3A_36 : vector<128xf32> to vector<1x128xf32>
    %div3A_38 = arith.constant 1.000000e+04 : f32
    %div3A_39 = vector.broadcast %div3A_38 : f32 to vector<1x128xf32>
    %div3A_40 = arith.divf %broadcast_in_dim3A_37, %div3A_39 : vector<1x128xf32>
    %sub3A_41 = vector.broadcast %div3A_33 : vector<1x128xf32> to vector<10000x128xf32>
    %sub3A_42 = arith.subf %add3A_23, %sub3A_41 : vector<10000x128xf32>
    %mul3A_43 = vector.broadcast %get3A_26 : vector<1x128xf32> to vector<10000x128xf32>
    %mul3A_44 = arith.mulf %mul3A_43, %sub3A_42 : vector<10000x128xf32>
    %add3A_45 = arith.constant 9.99999974E-6 : f32
    %add3A_46 = vector.broadcast %add3A_45 : f32 to vector<1x128xf32>
    %add3A_47 = arith.addf %div3A_40, %add3A_46 : vector<1x128xf32>
    %rsqrt3A = math.rsqrt %add3A_47 : vector<1x128xf32>
    %mul3A_48 = vector.broadcast %rsqrt3A : vector<1x128xf32> to vector<10000x128xf32>
    %mul3A_49 = arith.mulf %mul3A_44, %mul3A_48 : vector<10000x128xf32>
    %add3A_50 = vector.broadcast %get3A_29 : vector<1x128xf32> to vector<10000x128xf32>
    %add3A_51 = arith.addf %mul3A_49, %add3A_50 : vector<10000x128xf32>
    %max3A_52 = arith.constant 0.000000e+00 : f32
    %max3A_53 = vector.broadcast %max3A_52 : f32 to vector<10000x128xf32>
    %max3A_54 = arith.maximumf %add3A_51, %max3A_53 : vector<10000x128xf32>
    %get3A_55 = arith.constant 0 : index
    %get3A_56 = arith.constant 0 : index
    %get3A_57 = vector.load %arg7[%get3A_55, %get3A_56] : memref<128x128xf32, #tpu.memory_space<vmem>>, vector<128x128xf32>
    %dot_general3A = arith.constant dense<0.000000e+00> : vector<10000x128xf32>
    %dot_general3A_58 = tpu.matmul %max3A_54, %get3A_57, %dot_general3A {dimension_numbers = #tpu.dot_dimension_numbers<[1], [0], [0], [1], [0, 0, 1, 1], [], []>, transpose_lhs_hint = false} : vector<10000x128xf32>, vector<128x128xf32>, vector<10000x128xf32> -> vector<10000x128xf32>
    %swap3A = arith.constant 0 : index
    %swap3A_59 = arith.constant 0 : index
    %swap3A_60 = arith.constant 0 : index
    %swap3A_61 = vector.load %arg8[%swap3A, %swap3A_59, %swap3A_60] : memref<1x10000x128xf32, #tpu.memory_space<vmem>>, vector<1x10000x128xf32>
    %swap3A_62 = vector.shape_cast %swap3A_61 : vector<1x10000x128xf32> to vector<10000x128xf32>
    %swap3A_63 = vector.shape_cast %dot_general3A_58 : vector<10000x128xf32> to vector<1x10000x128xf32>
    tpu.vector_store %arg8[%swap3A, %swap3A_59, %swap3A_60], %swap3A_63 {strides = array<i32>} : memref<1x10000x128xf32, #tpu.memory_space<vmem>>, vector<1x10000x128xf32>,
    return
  }
  func.func @transform_0(%arg0: i32) -> (i32, i32, i32) {
    %c0_i32 = arith.constant 0 : i32
    %c0_i32_0 = arith.constant 0 : i32
    %c0_i32_1 = arith.constant 0 : i32
    return %arg0, %c0_i32, %c0_i32_0 : i32, i32, i32
  }
  func.func @transform_1(%arg0: i32) -> (i32, i32, i32) {
    %c0_i32 = arith.constant 0 : i32
    %c0_i32_0 = arith.constant 0 : i32
    %c0_i32_1 = arith.constant 0 : i32
    return %arg0, %c0_i32, %c0_i32_0 : i32, i32, i32
  }
  func.func @transform_2(%arg0: i32) -> (i32, i32, i32) {
    %c0_i32 = arith.constant 0 : i32
    %c0_i32_0 = arith.constant 0 : i32
    %c0_i32_1 = arith.constant 0 : i32
    return %arg0, %c0_i32, %c0_i32_0 : i32, i32, i32
  }
  func.func @transform_3(%arg0: i32) -> (i32, i32) {
    %c0_i32 = arith.constant 0 : i32
    %c0_i32_0 = arith.constant 0 : i32
    %c0_i32_1 = arith.constant 0 : i32
    return %c0_i32, %c0_i32_0 : i32, i32
  }
  func.func @transform_4(%arg0: i32) -> (i32, i32) {
    %c0_i32 = arith.constant 0 : i32
    %c0_i32_0 = arith.constant 0 : i32
    %c0_i32_1 = arith.constant 0 : i32
    return %c0_i32, %c0_i32_0 : i32, i32
  }
  func.func @transform_5(%arg0: i32) -> (i32, i32) {
    %c0_i32 = arith.constant 0 : i32
    %c0_i32_0 = arith.constant 0 : i32
    %c0_i32_1 = arith.constant 0 : i32
    return %c0_i32, %c0_i32_0 : i32, i32
  }
  func.func @transform_6(%arg0: i32) -> (i32, i32) {
    %c0_i32 = arith.constant 0 : i32
    %c0_i32_0 = arith.constant 0 : i32
    %c0_i32_1 = arith.constant 0 : i32
    return %c0_i32, %c0_i32_0 : i32, i32
  }
  func.func @transform_7(%arg0: i32) -> (i32, i32, i32) {
    %c0_i32 = arith.constant 0 : i32
    %c0_i32_0 = arith.constant 0 : i32
    %c0_i32_1 = arith.constant 0 : i32
    return %arg0, %c0_i32, %c0_i32_0 : i32, i32, i32
  }
}

module attributes {stable_mosaic.version = 14 : i64} {
  func.func @_tc3_body(%arg0: memref<2x10000x128xf32, #tpu.memory_space<vmem>>, %arg1: memref<2x10000x128xf32, #tpu.memory_space<vmem>>, %arg2: memref<2x10000x128xf32, #tpu.memory_space<vmem>>, %arg3: memref<1x128xf32, #tpu.memory_space<vmem>>, %arg4: memref<1x128xf32, #tpu.memory_space<vmem>>, %arg5: memref<1x128xf32, #tpu.memory_space<vmem>>, %arg6: memref<256x256xf32, #tpu.memory_space<vmem>>, %arg7: memref<1x256xf32, #tpu.memory_space<vmem>>, %arg8: memref<256x1xf32, #tpu.memory_space<vmem>>, %arg9: memref<1x1xf32, #tpu.memory_space<vmem>>, %arg10: memref<1x1xf32, #tpu.memory_space<vmem>>) attributes {dimension_semantics = [], scalar_prefetch = 0 : i64, scratch_operands = 0 : i64, tpu.core_type = #tpu.core_type<tc>} {
    %get3A = arith.constant 0 : index
    %get3A_0 = arith.constant 0 : index
    %get3A_1 = arith.constant 0 : index
    %get3A_2 = vector.load %arg2[%get3A, %get3A_0, %get3A_1] : memref<2x10000x128xf32, #tpu.memory_space<vmem>>, vector<1x10000x1xf32>
    %get3A_3 = vector.shape_cast %get3A_2 : vector<1x10000x1xf32> to vector<10000x1xf32>
    %max3A = arith.constant 1.000000e+00 : f32
    %max3A_4 = vector.broadcast %max3A : f32 to vector<10000x1xf32>
    %max3A_5 = arith.maximumf %get3A_3, %max3A_4 : vector<10000x1xf32>
    %div3A = arith.constant 1.000000e+00 : f32
    %div3A_6 = vector.broadcast %div3A : f32 to vector<10000x1xf32>
    %div3A_7 = arith.divf %div3A_6, %max3A_5 : vector<10000x1xf32>
    %get3A_8 = arith.constant 0 : index
    %get3A_9 = arith.constant 0 : index
    %get3A_10 = arith.constant 0 : index
    %get3A_11 = vector.load %arg0[%get3A_8, %get3A_9, %get3A_10] : memref<2x10000x128xf32, #tpu.memory_space<vmem>>, vector<1x10000x128xf32>
    %get3A_12 = vector.shape_cast %get3A_11 : vector<1x10000x128xf32> to vector<10000x128xf32>
    %get3A_13 = arith.constant 0 : index
    %get3A_14 = arith.constant 0 : index
    %get3A_15 = arith.constant 0 : index
    %get3A_16 = vector.load %arg1[%get3A_13, %get3A_14, %get3A_15] : memref<2x10000x128xf32, #tpu.memory_space<vmem>>, vector<1x10000x128xf32>
    %get3A_17 = vector.shape_cast %get3A_16 : vector<1x10000x128xf32> to vector<10000x128xf32>
    %mul3A = vector.broadcast %div3A_7 : vector<10000x1xf32> to vector<10000x128xf32>
    %mul3A_18 = arith.mulf %get3A_17, %mul3A : vector<10000x128xf32>
    %add3A = arith.addf %get3A_12, %mul3A_18 : vector<10000x128xf32>
    %get3A_19 = arith.constant 0 : index
    %get3A_20 = arith.constant 0 : index
    %get3A_21 = vector.load %arg3[%get3A_19, %get3A_20] : memref<1x128xf32, #tpu.memory_space<vmem>>, vector<1x128xf32>
    %add3A_22 = vector.broadcast %get3A_21 : vector<1x128xf32> to vector<10000x128xf32>
    %add3A_23 = arith.addf %add3A, %add3A_22 : vector<10000x128xf32>
    %get3A_24 = arith.constant 0 : index
    %get3A_25 = arith.constant 0 : index
    %get3A_26 = vector.load %arg4[%get3A_24, %get3A_25] : memref<1x128xf32, #tpu.memory_space<vmem>>, vector<1x128xf32>
    %get3A_27 = arith.constant 0 : index
    %get3A_28 = arith.constant 0 : index
    %get3A_29 = vector.load %arg5[%get3A_27, %get3A_28] : memref<1x128xf32, #tpu.memory_space<vmem>>, vector<1x128xf32>
    %reduce_sum3A = arith.constant dense<0.000000e+00> : vector<128xf32>
    %reduce_sum3A_30 = vector.multi_reduction <add>, %add3A_23, %reduce_sum3A [0] : vector<10000x128xf32> to vector<128xf32>
    %broadcast_in_dim3A = vector.shape_cast %reduce_sum3A_30 : vector<128xf32> to vector<1x128xf32>
    %div3A_31 = arith.constant 1.000000e+04 : f32
    %div3A_32 = vector.broadcast %div3A_31 : f32 to vector<1x128xf32>
    %div3A_33 = arith.divf %broadcast_in_dim3A, %div3A_32 : vector<1x128xf32>
    %sub3A = vector.broadcast %div3A_33 : vector<1x128xf32> to vector<10000x128xf32>
    %sub3A_34 = arith.subf %add3A_23, %sub3A : vector<10000x128xf32>
    %integer_pow3A = arith.mulf %sub3A_34, %sub3A_34 : vector<10000x128xf32>
    %reduce_sum3A_35 = arith.constant dense<0.000000e+00> : vector<128xf32>
    %reduce_sum3A_36 = vector.multi_reduction <add>, %integer_pow3A, %reduce_sum3A_35 [0] : vector<10000x128xf32> to vector<128xf32>
    %broadcast_in_dim3A_37 = vector.shape_cast %reduce_sum3A_36 : vector<128xf32> to vector<1x128xf32>
    %div3A_38 = arith.constant 1.000000e+04 : f32
    %div3A_39 = vector.broadcast %div3A_38 : f32 to vector<1x128xf32>
    %div3A_40 = arith.divf %broadcast_in_dim3A_37, %div3A_39 : vector<1x128xf32>
    %sub3A_41 = vector.broadcast %div3A_33 : vector<1x128xf32> to vector<10000x128xf32>
    %sub3A_42 = arith.subf %add3A_23, %sub3A_41 : vector<10000x128xf32>
    %mul3A_43 = vector.broadcast %get3A_26 : vector<1x128xf32> to vector<10000x128xf32>
    %mul3A_44 = arith.mulf %mul3A_43, %sub3A_42 : vector<10000x128xf32>
    %add3A_45 = arith.constant 9.99999974E-6 : f32
    %add3A_46 = vector.broadcast %add3A_45 : f32 to vector<1x128xf32>
    %add3A_47 = arith.addf %div3A_40, %add3A_46 : vector<1x128xf32>
    %rsqrt3A = math.rsqrt %add3A_47 : vector<1x128xf32>
    %mul3A_48 = vector.broadcast %rsqrt3A : vector<1x128xf32> to vector<10000x128xf32>
    %mul3A_49 = arith.mulf %mul3A_44, %mul3A_48 : vector<10000x128xf32>
    %add3A_50 = vector.broadcast %get3A_29 : vector<1x128xf32> to vector<10000x128xf32>
    %add3A_51 = arith.addf %mul3A_49, %add3A_50 : vector<10000x128xf32>
    %max3A_52 = arith.constant 0.000000e+00 : f32
    %max3A_53 = vector.broadcast %max3A_52 : f32 to vector<10000x128xf32>
    %max3A_54 = arith.maximumf %add3A_51, %max3A_53 : vector<10000x128xf32>
    %reduce_sum3A_55 = arith.constant dense<0.000000e+00> : vector<128xf32>
    %reduce_sum3A_56 = vector.multi_reduction <add>, %max3A_54, %reduce_sum3A_55 [0] : vector<10000x128xf32> to vector<128xf32>
    %broadcast_in_dim3A_57 = vector.shape_cast %reduce_sum3A_56 : vector<128xf32> to vector<1x128xf32>
    %div3A_58 = arith.constant 1.000000e+04 : f32
    %div3A_59 = vector.broadcast %div3A_58 : f32 to vector<1x128xf32>
    %div3A_60 = arith.divf %broadcast_in_dim3A_57, %div3A_59 : vector<1x128xf32>
    %get3A_61 = arith.constant 1 : index
    %get3A_62 = arith.constant 0 : index
    %get3A_63 = arith.constant 0 : index
    %get3A_64 = vector.load %arg2[%get3A_61, %get3A_62, %get3A_63] : memref<2x10000x128xf32, #tpu.memory_space<vmem>>, vector<1x10000x1xf32>
    %get3A_65 = vector.shape_cast %get3A_64 : vector<1x10000x1xf32> to vector<10000x1xf32>
    %max3A_66 = arith.constant 1.000000e+00 : f32
    %max3A_67 = vector.broadcast %max3A_66 : f32 to vector<10000x1xf32>
    %max3A_68 = arith.maximumf %get3A_65, %max3A_67 : vector<10000x1xf32>
    %div3A_69 = arith.constant 1.000000e+00 : f32
    %div3A_70 = vector.broadcast %div3A_69 : f32 to vector<10000x1xf32>
    %div3A_71 = arith.divf %div3A_70, %max3A_68 : vector<10000x1xf32>
    %get3A_72 = arith.constant 1 : index
    %get3A_73 = arith.constant 0 : index
    %get3A_74 = arith.constant 0 : index
    %get3A_75 = vector.load %arg0[%get3A_72, %get3A_73, %get3A_74] : memref<2x10000x128xf32, #tpu.memory_space<vmem>>, vector<1x10000x128xf32>
    %get3A_76 = vector.shape_cast %get3A_75 : vector<1x10000x128xf32> to vector<10000x128xf32>
    %get3A_77 = arith.constant 1 : index
    %get3A_78 = arith.constant 0 : index
    %get3A_79 = arith.constant 0 : index
    %get3A_80 = vector.load %arg1[%get3A_77, %get3A_78, %get3A_79] : memref<2x10000x128xf32, #tpu.memory_space<vmem>>, vector<1x10000x128xf32>
    %get3A_81 = vector.shape_cast %get3A_80 : vector<1x10000x128xf32> to vector<10000x128xf32>
    %mul3A_82 = vector.broadcast %div3A_71 : vector<10000x1xf32> to vector<10000x128xf32>
    %mul3A_83 = arith.mulf %get3A_81, %mul3A_82 : vector<10000x128xf32>
    %add3A_84 = arith.addf %get3A_76, %mul3A_83 : vector<10000x128xf32>
    %get3A_85 = arith.constant 0 : index
    %get3A_86 = arith.constant 0 : index
    %get3A_87 = vector.load %arg3[%get3A_85, %get3A_86] : memref<1x128xf32, #tpu.memory_space<vmem>>, vector<1x128xf32>
    %add3A_88 = vector.broadcast %get3A_87 : vector<1x128xf32> to vector<10000x128xf32>
    %add3A_89 = arith.addf %add3A_84, %add3A_88 : vector<10000x128xf32>
    %get3A_90 = arith.constant 0 : index
    %get3A_91 = arith.constant 0 : index
    %get3A_92 = vector.load %arg4[%get3A_90, %get3A_91] : memref<1x128xf32, #tpu.memory_space<vmem>>, vector<1x128xf32>
    %get3A_93 = arith.constant 0 : index
    %get3A_94 = arith.constant 0 : index
    %get3A_95 = vector.load %arg5[%get3A_93, %get3A_94] : memref<1x128xf32, #tpu.memory_space<vmem>>, vector<1x128xf32>
    %reduce_sum3A_96 = arith.constant dense<0.000000e+00> : vector<128xf32>
    %reduce_sum3A_97 = vector.multi_reduction <add>, %add3A_89, %reduce_sum3A_96 [0] : vector<10000x128xf32> to vector<128xf32>
    %broadcast_in_dim3A_98 = vector.shape_cast %reduce_sum3A_97 : vector<128xf32> to vector<1x128xf32>
    %div3A_99 = arith.constant 1.000000e+04 : f32
    %div3A_100 = vector.broadcast %div3A_99 : f32 to vector<1x128xf32>
    %div3A_101 = arith.divf %broadcast_in_dim3A_98, %div3A_100 : vector<1x128xf32>
    %sub3A_102 = vector.broadcast %div3A_101 : vector<1x128xf32> to vector<10000x128xf32>
    %sub3A_103 = arith.subf %add3A_89, %sub3A_102 : vector<10000x128xf32>
    %integer_pow3A_104 = arith.mulf %sub3A_103, %sub3A_103 : vector<10000x128xf32>
    %reduce_sum3A_105 = arith.constant dense<0.000000e+00> : vector<128xf32>
    %reduce_sum3A_106 = vector.multi_reduction <add>, %integer_pow3A_104, %reduce_sum3A_105 [0] : vector<10000x128xf32> to vector<128xf32>
    %broadcast_in_dim3A_107 = vector.shape_cast %reduce_sum3A_106 : vector<128xf32> to vector<1x128xf32>
    %div3A_108 = arith.constant 1.000000e+04 : f32
    %div3A_109 = vector.broadcast %div3A_108 : f32 to vector<1x128xf32>
    %div3A_110 = arith.divf %broadcast_in_dim3A_107, %div3A_109 : vector<1x128xf32>
    %sub3A_111 = vector.broadcast %div3A_101 : vector<1x128xf32> to vector<10000x128xf32>
    %sub3A_112 = arith.subf %add3A_89, %sub3A_111 : vector<10000x128xf32>
    %mul3A_113 = vector.broadcast %get3A_92 : vector<1x128xf32> to vector<10000x128xf32>
    %mul3A_114 = arith.mulf %mul3A_113, %sub3A_112 : vector<10000x128xf32>
    %add3A_115 = arith.constant 9.99999974E-6 : f32
    %add3A_116 = vector.broadcast %add3A_115 : f32 to vector<1x128xf32>
    %add3A_117 = arith.addf %div3A_110, %add3A_116 : vector<1x128xf32>
    %rsqrt3A_118 = math.rsqrt %add3A_117 : vector<1x128xf32>
    %mul3A_119 = vector.broadcast %rsqrt3A_118 : vector<1x128xf32> to vector<10000x128xf32>
    %mul3A_120 = arith.mulf %mul3A_114, %mul3A_119 : vector<10000x128xf32>
    %add3A_121 = vector.broadcast %get3A_95 : vector<1x128xf32> to vector<10000x128xf32>
    %add3A_122 = arith.addf %mul3A_120, %add3A_121 : vector<10000x128xf32>
    %max3A_123 = arith.constant 0.000000e+00 : f32
    %max3A_124 = vector.broadcast %max3A_123 : f32 to vector<10000x128xf32>
    %max3A_125 = arith.maximumf %add3A_122, %max3A_124 : vector<10000x128xf32>
    %reduce_sum3A_126 = arith.constant dense<0.000000e+00> : vector<128xf32>
    %reduce_sum3A_127 = vector.multi_reduction <add>, %max3A_125, %reduce_sum3A_126 [0] : vector<10000x128xf32> to vector<128xf32>
    %broadcast_in_dim3A_128 = vector.shape_cast %reduce_sum3A_127 : vector<128xf32> to vector<1x128xf32>
    %div3A_129 = arith.constant 1.000000e+04 : f32
    %div3A_130 = vector.broadcast %div3A_129 : f32 to vector<1x128xf32>
    %div3A_131 = arith.divf %broadcast_in_dim3A_128, %div3A_130 : vector<1x128xf32>
    %concatenate3A = tpu.concatenate %div3A_60, %div3A_131 in 1 : vector<1x128xf32>, vector<1x128xf32> -> vector<1x256xf32>
    %get3A_132 = arith.constant 0 : index
    %get3A_133 = arith.constant 0 : index
    %get3A_134 = vector.load %arg6[%get3A_132, %get3A_133] : memref<256x256xf32, #tpu.memory_space<vmem>>, vector<256x256xf32>
    %dot_general3A = arith.constant dense<0.000000e+00> : vector<1x256xf32>
    %dot_general3A_135 = tpu.matmul %concatenate3A, %get3A_134, %dot_general3A {dimension_numbers = #tpu.dot_dimension_numbers<[1], [0], [0], [1], [0, 0, 1, 1], [], []>, transpose_lhs_hint = false} : vector<1x256xf32>, vector<256x256xf32>, vector<1x256xf32> -> vector<1x256xf32>
    %get3A_136 = arith.constant 0 : index
    %get3A_137 = arith.constant 0 : index
    %get3A_138 = vector.load %arg7[%get3A_136, %get3A_137] : memref<1x256xf32, #tpu.memory_space<vmem>>, vector<1x256xf32>
    %add3A_139 = arith.addf %dot_general3A_135, %get3A_138 : vector<1x256xf32>
    %max3A_140 = arith.constant 0.000000e+00 : f32
    %max3A_141 = vector.broadcast %max3A_140 : f32 to vector<1x256xf32>
    %max3A_142 = arith.maximumf %add3A_139, %max3A_141 : vector<1x256xf32>
    %get3A_143 = arith.constant 0 : index
    %get3A_144 = arith.constant 0 : index
    %get3A_145 = vector.load %arg8[%get3A_143, %get3A_144] : memref<256x1xf32, #tpu.memory_space<vmem>>, vector<256x1xf32>
    %dot_general3A_146 = arith.constant dense<0.000000e+00> : vector<1x1xf32>
    %dot_general3A_147 = tpu.matmul %max3A_142, %get3A_145, %dot_general3A_146 {dimension_numbers = #tpu.dot_dimension_numbers<[1], [0], [0], [1], [0, 0, 1, 1], [], []>, transpose_lhs_hint = false} : vector<1x256xf32>, vector<256x1xf32>, vector<1x1xf32> -> vector<1x1xf32>
    %get3A_148 = arith.constant 0 : index
    %get3A_149 = arith.constant 0 : index
    %get3A_150 = vector.load %arg9[%get3A_148, %get3A_149] : memref<1x1xf32, #tpu.memory_space<vmem>>, vector<1x1xf32>
    %add3A_151 = arith.addf %dot_general3A_147, %get3A_150 : vector<1x1xf32>
    %logistic3A = arith.negf %add3A_151 : vector<1x1xf32>
    %logistic3A_152 = math.exp %logistic3A : vector<1x1xf32>
    %logistic3A_153 = arith.constant 1.000000e+00 : f32
    %logistic3A_154 = vector.broadcast %logistic3A_153 : f32 to vector<1x1xf32>
    %logistic3A_155 = arith.addf %logistic3A_154, %logistic3A_152 : vector<1x1xf32>
    %logistic3A_156 = arith.divf %logistic3A_154, %logistic3A_155 : vector<1x1xf32>
    %swap3A = arith.constant 0 : index
    %swap3A_157 = arith.constant 0 : index
    %swap3A_158 = vector.load %arg10[%swap3A, %swap3A_157] : memref<1x1xf32, #tpu.memory_space<vmem>>, vector<1x1xf32>
    tpu.vector_store %arg10[%swap3A, %swap3A_157], %logistic3A_156 {strides = array<i32>} : memref<1x1xf32, #tpu.memory_space<vmem>>, vector<1x1xf32>,
    return
  }
}

</mosaic_0001>

<sc_bundles>
// kernel: kernel.11.cloned.1.call-start
scs
__scs_entry_jumppad:
0x0: {  	(pc) =	sbr.rel $0x88, $3  }
0x1: {  	(tag) =	ssettag $0x0;
	lr =	simm.s32 $0x1  }
0x2: {  	[smem:$0x3F8F] =	sst lr;
	_ =	strace $0xD0000000  }
0x3: {  	_ = 	snop  }
0x4: {  	_ = 	snop  }
0x5: {  	_ = 	snop  }
0x6: {  	_ = 	snop  }
0x7: {  	_ = 	snop  }
__scs_overlays_trampoline_lowered:
0x8: {  	[smem:$0x3F9E] =	sst s0  }
0x9: {  	[smem:$0x3F9F] =	sst s1  }
0xa: {  	[smem:$0x3FA0] =	sst s2  }
0xb: {  	[smem:$0x3FA1] =	sst s3  }
0xc: {  	[smem:$0x3FA2] =	sst s4  }
0xd: {  	[smem:$0x3FA3] =	sst s5  }
0xe: {  	[smem:$0x3FA4] =	sst s6  }
0xf: {  	[smem:$0x3FA5] =	sst s7  }
0x10: {  	[smem:$0x3FA6] =	sst s8  }
0x11: {  	[smem:$0x3FA7] =	sst s9;
	s0 =	simm.s32 @!p0 $0x0  }
0x12: {  	s1 =	sld [smem:$0x3F8D];
	s0 =	simm.s32 @p0 $0x1  }
0x13: {  	[smem:$0x3FA8] =	sst s0;
	s0 =	simm.s32 @!p1 $0x0  }
0x14: {  	s2 =	sld [smem:$0x3F8C];
	s0 =	simm.s32 @p1 $0x1  }
0x15: {  	[smem:$0x3FA9] =	sst s0;
	s0 =	simm.s32 @!p2 $0x0  }
0x16: {  	s3 =	sld [smem:$0x3FDB];
	s0 =	simm.s32 @p2 $0x1  }
0x17: {  	s4 =	simm.s32 $0x1BF5;
	[smem:$0x3FAB] =	sst s0  }
0x18: {  	s0 =	sld [smem:$0x3F8E];
	_ =	swait.ge [sflag:s4], $0x0  }
0x19: {  	s7 =	sld [smem:$0x3F8F]  }
0x1a: {  	s8 =	sadd.s32 $0xFFFFE003, lr  }
0x1b: {  	s9 =	sadd.s32 $0xFFFFFEF7, lr;
	s5 =	simm.s32 $0xFFFFFFFF;
	p2 =	slt.u32 s8, $0xFFFFF086  }
0x1c: {  	p1 =	slt.u32 s9, $0xF7A;
	s5 =	simm.s32 @!p2 $0x0  }
0x1d: {  	s5 =	simm.s32 @p1 $0x1;
	p0 =	seq.s32 s7, s2  }
0x1e: {  	s7 =	smul.u32 @!p0 $0xF7A, s2;
	p2 =	seq.s32 @!p0 s5, $0x0  }
0x1f: {  	s9 =	smul.u32 $0xF7A, s1;
	s8 =	simm.s32 @!p0 $0x1BF5;
	p2 =	por !p2, p0  }
0x20: {  	[sflag:s8] =	ssyncset.s32 @!p0 $0xFFFFF086;
	s6 =	sadd.s32 @!p0 s3, s7;
	s7 =	simm.s32 @!p0 $0x108  }
0x21: {  	s3 =	sadd.s32 s3, s9;
	s6 =	sadd.s32 @!p0 $0x88, s6;
	s7 =	simm.s32 @p2 $0x1082  }
0x22: {  	[simem:s7], [sflag:s8] =	dma.local @!p0 [hbm:s6], $0xF7A  }
0x23: {  	s9 =	sor.u32 $0xD0000000, s2;
	s6 =	simm.s32 $0x108;
	_ =	swait.ge @!p0 [sflag:s8], $0x0  }
0x24: {  	s3 =	sadd.s32 $0x88, s3;
	s6 =	simm.s32 @!p1 $0x1082;
	[sflag:s4] =	ssyncset.s32 $0xFFFFF086  }
0x25: {  	[simem:s6], [sflag:s4] =	dma.local [hbm:s3], $0xF7A  }
0x26: {  	[smem:$0x3F8F] =	sst s1;
	(tag) =	ssettag s2;
	_ =	strace s9  }
0x27: {  	s1 =	sld [smem:$0x3F9F]  }
0x28: {  	s2 =	sld [smem:$0x3FA0]  }
0x29: {  	s4 =	sld [smem:$0x3FA2]  }
0x2a: {  	p0 =	seq.s32 s5, $0x0;
	s5 =	sld [smem:$0x3FA3]  }
0x2b: {  	s6 =	sld [smem:$0x3FA4]  }
0x2c: {  	s7 =	sld [smem:$0x3FA5]  }
0x2d: {  	s3 =	simm.s32 $0x108;
	s8 =	sld [smem:$0x3FA6]  }
0x2e: {  	s3 =	simm.s32 @!p0 $0x1082;
	s9 =	sld [smem:$0x3FA7]  }
0x2f: {  	lr =	sadd.s32 s0, s3;
	s0 =	sld [smem:$0x3F9E]  }
0x30: {  	s3 =	sld [smem:$0x3FA1]  }
0x31: {  	[smem:$0x3FAA] =	sst s10  }
0x32: {  	s10 =	sld [smem:$0x3FA8];
	_ =	sdelay $0x3  }
0x33: {  	p0 =	seq.s32 s10, $0x1;
	s10 =	sld [smem:$0x3FAA];
	_ =	sdelay $0x3  }
0x34: {  	[smem:$0x3FAA] =	sst s10  }
0x35: {  	s10 =	sld [smem:$0x3FA9];
	_ =	sdelay $0x3  }
0x36: {  	p1 =	seq.s32 s10, $0x1;
	s10 =	sld [smem:$0x3FAA];
	_ =	sdelay $0x3  }
0x37: {  	[smem:$0x3FAA] =	sst s10  }
0x38: {  	s10 =	sld [smem:$0x3FAB]  }
0x39: {  	_ = 	snop;
	(pc) =	sbr.ind lr, $3  }
0x3a: {  	_ = 	snop  }
0x3b: {  	_ = 	snop  }
0x3c: {  	p2 =	seq.s32 s10, $0x1;
	s10 =	sld [smem:$0x3FAA]  }
0x3d: {  	_ =	shalt  }
0x3e: {  	_ =	shalt  }
0x3f: {  	_ =	shalt  }
0x40: {  	_ =	shalt  }
0x41: {  	_ =	shalt  }
0x42: {  	_ =	shalt  }
0x43: {  	_ =	shalt  }
0x44: {  	_ =	shalt  }
0x45: {  	_ =	shalt  }
0x46: {  	_ =	shalt  }
0x47: {  	_ =	shalt  }
0x48: {  	_ =	shalt  }
0x49: {  	_ =	shalt  }
0x4a: {  	_ =	shalt  }
0x4b: {  	_ =	shalt  }
0x4c: {  	_ =	shalt  }
0x4d: {  	_ =	shalt  }
0x4e: {  	_ =	shalt  }
0x4f: {  	_ =	shalt  }
0x50: {  	_ =	shalt  }
0x51: {  	_ =	shalt  }
0x52: {  	_ =	shalt  }
0x53: {  	_ =	shalt  }
0x54: {  	_ =	shalt  }
0x55: {  	_ =	shalt  }
0x56: {  	_ =	shalt  }
0x57: {  	_ =	shalt  }
0x58: {  	_ =	shalt  }
0x59: {  	_ =	shalt  }
0x5a: {  	_ =	shalt  }
0x5b: {  	_ =	shalt  }
0x5c: {  	_ =	shalt  }
0x5d: {  	_ =	shalt  }
0x5e: {  	_ =	shalt  }
0x5f: {  	_ =	shalt  }
0x60: {  	_ =	shalt  }
0x61: {  	_ =	shalt  }
0x62: {  	_ =	shalt  }
0x63: {  	_ =	shalt  }
0x64: {  	_ =	shalt  }
0x65: {  	_ =	shalt  }
0x66: {  	_ =	shalt  }
0x67: {  	_ =	shalt  }
0x68: {  	_ =	shalt  }
0x69: {  	_ =	shalt  }
0x6a: {  	_ =	shalt  }
0x6b: {  	_ =	shalt  }
0x6c: {  	_ =	shalt  }
0x6d: {  	_ =	shalt  }
0x6e: {  	_ =	shalt  }
0x6f: {  	_ =	shalt  }
0x70: {  	_ =	shalt  }
0x71: {  	_ =	shalt  }
0x72: {  	_ =	shalt  }
0x73: {  	_ =	shalt  }
0x74: {  	_ =	shalt  }
0x75: {  	_ =	shalt  }
0x76: {  	_ =	shalt  }
0x77: {  	_ =	shalt  }
0x78: {  	_ =	shalt  }
0x79: {  	_ =	shalt  }
0x7a: {  	_ =	shalt  }
0x7b: {  	_ =	shalt  }
0x7c: {  	_ =	shalt  }
0x7d: {  	_ =	shalt  }
0x7e: {  	_ =	shalt  }
0x7f: {  	_ =	shalt  }
0x80: {  	_ =	shalt  }
0x81: {  	_ =	shalt  }
0x82: {  	_ =	shalt  }
0x83: {  	_ =	shalt  }
0x84: {  	_ =	shalt  }
0x85: {  	_ =	shalt  }
0x86: {  	_ =	shalt  }
0x87: {  	_ =	shalt  }
.Lfunc_end0:
.L_simem_size_0:
called_computation.1_lowered:
.L_overlay_start_0:
0x88: {  	s2 =	sld [smem:$0x3FD9]  }
0x89: {  	s3 =	sld [smem:$0x3FFE];
	_ =	sdelay $0x1  }
0x8a: {  	s1 =	srdreg.scid  }
0x8b: {  	s0 =	sand.u32 $0x1, s1  }
0x8c: {  	s16 =	sshll.u32 s0, $0xA;
	s2 =	sadd.s32 s3, s2  }
0x8d: {  	s2 =	sadd.s32 s2, s16  }
0x8e: {  	[smem:$0x3FB6] =	sst s2  }
0x8f: {  	_ = 	snop  }
0x90: {  	(tm) =	ssettm $0x1  }
0x91: {  	s17 =	sld [smem:$0x3FFB];
	_ =	sdelay $0x3  }
0x92: {  	_ =	strace s17  }
0x93: {  	s2 =	sld [smem:$0x3FFC];
	_ =	sdelay $0x3  }
0x94: {  	_ =	strace s2  }
0x95: {  	s2 =	sld [smem:$0x3FFD];
	_ =	sdelay $0x3  }
0x96: {  	_ =	strace s2  }
0x97: {  	_ =	strace $0x8FFFFFFF  }
0x98: {  	s18 =	sld [smem:$0x3FDB];
	_ =	sdelay $0x1  }
0x99: {  	s19 =	simm.s32 $_scs_section_size  }
0x9a: {  	s4 =	simm.s32 $_size__tile_overlayer_lowered;
	s5 =	simm.s32 $_tile_overlayer_lowered  }
0x9b: {  	s22 =	simm.s32 $0x1BFF;
	s21 =	sshll.u32 s5, $0x1;
	s2 =	sadd.s32 s19, s18  }
0x9c: {  	s6 =	simm.s32 $0x0;
	s20 =	sshll.u32 s4, $0x1;
	s4 =	sadd.s32 s21, s2  }
0x9d: {  	[timem:s6], [sflag:s22] =	dma.local [hbm:s4], s20  }
0x9e: {  	_ =	swait.ge [sflag:s22], s20  }
0x9f: {  	s3 =	ssub.s32 $0x0, s20;
	[sflag:s22] =	ssyncset.done $0x0  }
0xa0: {  	[sflag:s22] =	ssyncadd.s32 s3;
	_ =	sdelay $0x1  }
0xa1: {  	s23 =	simm.s32 $0x1B8B  }
0xa2: {  	_ =	swait.ge [sflag:s23], $0x1  }
0xa3: {  	[sflag:s23] =	ssyncset.done $0x0  }
0xa4: {  	s25 =	simm.s32 $0x1B8E;
	s24 =	sld [smem:$0x3FFE];
	[sflag:s23] =	ssyncadd.s32 $0xFFFFFFFF  }
0xa5: {  	s26 =	simm.s32 $execute0_lowered;
	[smem:$0x3FD2] =	sst s25  }
0xa6: {  	s4 =	sshll.u32 s26, $0x1;
	_ =	strace $0x80000046;
	[dreg:$0x1] =	wrdreg $0xFFFFFFFF  }
0xa7: {  	s28 =	simm.s32 $_size_execute0_lowered;
	s2 =	sadd.s32 s2, s4;
	[dreg:$0x0] =	wrdreg $0x0  }
0xa8: {  	s4 =	sshll.u32 s28, $0x1;
	[dreg:$0x2] =	wrdreg s2  }
0xa9: {  	[dreg:$0x3] =	wrdreg s4  }
0xaa: {  	[dreg:$0x4] =	wrdreg $0xC0  }
0xab: {  	_ =	task [dreg:s6], $0x5FFFF  }
0xac: {  	[dreg:$0x1] =	wrdreg $0xFFFFFFFF  }
0xad: {  	[dreg:$0x0] =	wrdreg $0x60  }
0xae: {  	[dreg:$0x2] =	wrdreg s24  }
0xaf: {  	[dreg:$0x3] =	wrdreg $0x82000  }
0xb0: {  	[dreg:$0x4] =	wrdreg $0xA  }
0xb1: {  	_ =	task.clear_ibuf [dreg:s6], $0x5FFFF;
	_ =	strace $0x90000046  }
0xb2: {  	s29 =	simm.s32 $0xA;
	_ =	strace $0x80000048  }
0xb3: {  	_ =	swait.ge [sflag:s29], $0x1  }
0xb4: {  	[sflag:s29] =	ssyncadd.s32 $0xFFFFFFFF  }
0xb5: {  	_ =	strace $0x90000048  }
0xb6: {  	_ =	sfence  }
0xb7: {  	s30 =	sld [smem:$0x0];
	_ =	sdelay $0x2  }
0xb8: {  	s31 =	sshll.u32 s1, $0xD;
	s1 =	sshrl.u32 s1, $0x2  }
0xb9: {  	s3 =	sand.u32 $0x4000, s31;
	s1 =	sadd.s32 s1, s30  }
0xba: {  	s0 =	sor.u32 s3, s0;
	s1 =	sshll.u32 s1, $0x11  }
0xbb: {  	s0 =	sor.u32 s1, s0  }
0xbc: {  	s0 =	sadd.s32 $0x8F2B, s0  }
0xbd: {  	[sflag:s0] =	ssyncadd.remote.s32 $0x1  }
0xbe: {  	_ =	sfence.sel $0xFFFF  }
0xbf: {  	[dreg:$0x0] =	wrdreg $0xFFFFFFFF;
	(pc) =	sbr.abs _section_cstart, $3  }
0xc0: {  	[dreg:$0x1] =	wrdreg $0xFFFFFFFF  }
0xc1: {  	_ =	task.clear_ibuf [dreg:s6], $0x2FFFF;
	_ =	strace $0x9FFFFFFF  }
0xc2: {  	(tm) =	ssettm $0x7FFFFFFF  }
0xc3: {  	_ =	shalt  }
tec
execute0_lowered:
.L_overlay_start_1:
0x0: {  	(tag) =	ssettag $0x1  }
0x1: {  	s0 =	rddreg [dreg:$0x0]  }
0x2: {  	s1 =	rddreg [dreg:$0x1];
	s2 =	simm.s32 $0x0  }
0x3: {  	s5 =	srdreg.scid;
	s26 =	stileid.u32;
	s28 =	simm.s32 $0x2  }
0x4: {  	s29 =	simm.s32 $0x4200;
	s30 =	simm.s32 $0x3;
	s31 =	simm.s32 $0x4  }
0x5: {  	[smem:$0x7FF] =	sst s2;
	s4 =	sadd.s32 $0x3800, s0;
	s8 =	smul.u32 $0x4F000, s26  }
0x6: {  	s3 =	sadd.s32 $0x51A00, s0;
	s7 =	sadd.s32 $0x65A00, s0;
	s11 =	smul.u32 $0x4E000, s26  }
0x7: {  	s5 =	sand.u32 $0x1, s5;
	s6 =	sadd.s32 $0x79A00, s0;
	s14 =	smul.u32 $0x2700, s26  }
0x8: {  	s0 =	sadd.s32 $0x7C200, s0;
	s16 =	sshll.u32 s26, $0x6;
	s21 =	smul.u32 $0x5000, s26  }
0x9: {  	s25 =	sadd.s32 $0x138000, s1;
	p0 =	sne.s32 s26, $0xF;
	_ =	strace $0x80000047  }
0xa: {  	[dreg:$0x3] =	wrdreg s6;
	s15 =	sshll.u32 s5, $0x4;
	s9 =	ssub.s32 $0x2, s5  }
0xb: {  	s12 =	smul.u32 $0x27100, s5;
	s25 =	sshrl.u32 @!p0 s25, $0x3;
	s6 =	sor.u32 s26, s15  }
0xc: {  	s10 =	sshrl.u32 s9, $0x1;
	s8 =	sshrl.u32 s8, $0x2;
	s15 =	smul.u32 $0x138800, s5  }
0xd: {  	s5 =	smul.u32 $0x50000, s5;
	s11 =	sshrl.u32 s11, $0x2;
	s26 =	simm.s32 $0x200  }
0xe: {  	s6 =	smul.u32 $0x5000, s6;
	s13 =	ssub.s32 s9, s10;
	s12 =	sadd.s32 s14, s12  }
0xf: {  	s8 =	sadd.s32 s8, s1;
	s24 =	sadd.s32 s11, s1;
	s11 =	sadd.s32 s0, s12  }
0x10: {  	s22 =	sshrl.u32 s15, $0x3;
	s5 =	sadd.s32 s21, s5;
	s13 =	smax.u32 s13, $0x1  }
0x11: {  	s21 =	simm.s32 $0x100;
	s24 =	sshrl.u32 s24, $0x3;
	s17 =	sshrl.u32 s6, $0x3  }
0x12: {  	s6 =	sor.u32 $0x1C07, s16;
	s0 =	sadd.s32 s0, s22;
	s23 =	sor.u32 $0x180, s5  }
0x13: {  	s5 =	sor.u32 $0x100, s5;
	s22 =	simm.s32 $0x180;
	s18 =	sadd.s32 s3, s17  }
0x14: {  	s19 =	sadd.s32 s7, s17;
	s10 =	sor.u32 $0x10, s17;
	s12 =	sadd.s32 $0x27000, s0  }
0x15: {  	s0 =	sshrl.u32 s23, $0x3;
	s5 =	sshrl.u32 s5, $0x3;
	[dreg:$0x4] =	wrdreg s18  }
0x16: {  	s23 =	simm.s32 $0x1;
	[dreg:$0x5] =	wrdreg s19;
	s20 =	sadd.s32 s3, s10  }
0x17: {  	s10 =	sadd.s32 s7, s10;
	s14 =	sadd.s32 s0, s7;
	s15 =	sadd.s32 s0, s3  }
0x18: {  	s16 =	sadd.s32 s5, s7;
	s17 =	sadd.s32 s5, s3;
	s18 =	sshrl.u32 s8, $0x3  }
0x19: {  	s19 =	simm.s32 $0x7;
	s0 =	simm.s32 $0x5;
	s3 =	simm.s32 $0x6  }
0x1a: {  	s5 =	simm.s32 $0x0;
	[dreg:$0x6] =	wrdreg s20;
	s20 =	simm.s32 $0x80  }
.LBB2_1:
0x1b: {  	s7 =	rddreg [dreg:$0x3]  }
0x1c: {  	[spmem:s18], [sflag:s6] =	dma.local [hbm:s7], $0x2780  }
0x1d: {  	_ =	swait.ge [sflag:s19], $0x2780  }
0x1e: {  	[sflag:s19] =	ssyncset.done $0x0  }
0x1f: {  	s8 =	rddreg [dreg:$0x4];
	[sflag:s19] =	ssyncadd.s32 $0xFFFFD880  }
0x20: {  	[tilespmem:s2], [sflag:$0x1] =	stream.linear.gather [hbm4b:s8+s2], $0x80, $0x38;
	[tilespmem:$0x1BE00] =	vst v63  }
0x21: {  	s9 =	rddreg [dreg:$0x5]  }
0x22: {  	[tilespmem:s20], [sflag:$0x1] =	stream.linear.gather [hbm4b:s9+s2], $0x80, $0x38;
	[tilespmem:$0x1BE00] =	vst v63  }
0x23: {  	s8 =	rddreg [dreg:$0x6]  }
0x24: {  	[tilespmem:s21], [sflag:$0x2] =	stream.linear.gather [hbm4b:s8+s2], $0x80, $0x38;
	[tilespmem:$0x1BE00] =	vst v63  }
0x25: {  	_ = 	snop  }
0x26: {  	[tilespmem:s22], [sflag:$0x2] =	stream.linear.gather [hbm4b:s10+s2], $0x80, $0x38;
	[tilespmem:$0x1BE00] =	vst v63  }
0x27: {  	[bflag:$0x0] =	sbarrier.arrive $0xFFFF  }
0x28: {  	_ =	swait.ge [sflag:s23], $0x80  }
0x29: {  	[sflag:s23] =	ssyncset.done $0x0  }
0x2a: {  	[sflag:s23] =	ssyncadd.s32 $0xFFFFFF80  }
0x2b: {  	_ =	swait.ge [sflag:s23], $0x80  }
0x2c: {  	[sflag:s23] =	ssyncset.done $0x0  }
0x2d: {  	[sflag:s23] =	ssyncadd.s32 $0xFFFFFF80  }
0x2e: {  	[tilespmem:s26], [sflag:$0x3] =	stream.indirect.gather [hbm4b:s4+s20], $0x80, s2, s20, $0xb8;
	[tilespmem:$0x1BE00] =	vst v63  }
0x2f: {  	_ =	swait.ge [sflag:s28], $0x80  }
0x30: {  	[sflag:s28] =	ssyncset.done $0x0  }
0x31: {  	[sflag:s28] =	ssyncadd.s32 $0xFFFFFF80  }
0x32: {  	_ =	swait.ge [sflag:s28], $0x80  }
0x33: {  	[sflag:s28] =	ssyncset.done $0x0  }
0x34: {  	[sflag:s28] =	ssyncadd.s32 $0xFFFFFF80  }
0x35: {  	[tilespmem:s29], [sflag:$0x4] =	stream.indirect.gather [hbm4b:s4+s20], $0x80, s21, s20, $0xb8;
	[tilespmem:$0x1BE00] =	vst v63  }
0x36: {  	_ =	swait.ge [sflag:s30], $0x4000  }
0x37: {  	[sflag:s30] =	ssyncset.done $0x0  }
0x38: {  	[sflag:s30] =	ssyncadd.s32 $0xFFFFC000  }
0x39: {  	[spmem:s1] =	stream.indirect.scatter.add.f32 [tilespmem:s26], [sflag:$0x5], $0x80, s20, s20, $0xb8;
	[tilespmem:$0x1BE00] =	vst v63  }
0x3a: {  	_ =	swait.ge [sflag:s31], $0x4000  }
0x3b: {  	[sflag:s31] =	ssyncset.done $0x0  }
0x3c: {  	[sflag:s31] =	ssyncadd.s32 $0xFFFFC000  }
0x3d: {  	[spmem:s1] =	stream.indirect.scatter.add.f32 [tilespmem:s29], [sflag:$0x6], $0x80, s22, s20, $0xb8;
	[tilespmem:$0x1BE00] =	vst v63  }
0x3e: {  	_ =	swait.ge [sflag:s0], $0x4000  }
0x3f: {  	[sflag:s0] =	ssyncset.done $0x0  }
0x40: {  	s9 =	sadd.s32 $0x0, s17;
	[sflag:s0] =	ssyncadd.s32 $0xFFFFC000  }
0x41: {  	[tilespmem:s2], [sflag:$0x1] =	stream.linear.gather [hbm4b:s9+s2], $0x80, $0x38;
	[tilespmem:$0x1BE00] =	vst v63  }
0x42: {  	s8 =	sadd.s32 $0x0, s16  }
0x43: {  	[tilespmem:s20], [sflag:$0x1] =	stream.linear.gather [hbm4b:s8+s2], $0x80, $0x38;
	[tilespmem:$0x1BE00] =	vst v63  }
0x44: {  	_ =	swait.ge [sflag:s3], $0x4000  }
0x45: {  	s7 =	simm.s32 $0x20;
	[sflag:s3] =	ssyncset.done $0x0  }
0x46: {  	s9 =	sadd.s32 $0x0, s15;
	s8 =	sadd.s32 $0x0, s14;
	[sflag:s3] =	ssyncadd.s32 $0xFFFFC000  }
0x47: {  	[tilespmem:s21], [sflag:$0x2] =	stream.linear.gather [hbm4b:s9+s2], $0x80, $0x38;
	[tilespmem:$0x1BE00] =	vst v63  }
.LBB2_2:
0x48: {  	[tilespmem:s22], [sflag:$0x2] =	stream.linear.gather [hbm4b:s8+s2], $0x80, $0x38;
	[tilespmem:$0x1BE00] =	vst v63  }
0x49: {  	s8 =	smov.u32 s7  }
0x4a: {  	p1 =	sne.s32 s7, $0x9C0;
	s7 =	sadd.s32 $0x20, s7;
	_ =	swait.ge [sflag:s23], $0x80  }
0x4b: {  	[sflag:s23] =	ssyncset.done $0x0  }
0x4c: {  	[sflag:s23] =	ssyncadd.s32 $0xFFFFFF80  }
0x4d: {  	_ =	swait.ge [sflag:s23], $0x80  }
0x4e: {  	[sflag:s23] =	ssyncset.done $0x0  }
0x4f: {  	[sflag:s23] =	ssyncadd.s32 $0xFFFFFF80  }
0x50: {  	[tilespmem:s26], [sflag:$0x3] =	stream.indirect.gather [hbm4b:s4+s20], $0x80, s2, s20, $0xb8;
	[tilespmem:$0x1BE00] =	vst v63  }
0x51: {  	_ =	swait.ge [sflag:s28], $0x80  }
0x52: {  	[sflag:s28] =	ssyncset.done $0x0  }
0x53: {  	[sflag:s28] =	ssyncadd.s32 $0xFFFFFF80  }
0x54: {  	_ =	swait.ge [sflag:s28], $0x80  }
0x55: {  	[sflag:s28] =	ssyncset.done $0x0  }
0x56: {  	[sflag:s28] =	ssyncadd.s32 $0xFFFFFF80  }
0x57: {  	[tilespmem:s29], [sflag:$0x4] =	stream.indirect.gather [hbm4b:s4+s20], $0x80, s21, s20, $0xb8;
	[tilespmem:$0x1BE00] =	vst v63  }
0x58: {  	_ =	swait.ge [sflag:s30], $0x4000  }
0x59: {  	[sflag:s30] =	ssyncset.done $0x0  }
0x5a: {  	[sflag:s30] =	ssyncadd.s32 $0xFFFFC000  }
0x5b: {  	[spmem:s1] =	stream.indirect.scatter.add.f32 [tilespmem:s26], [sflag:$0x5], $0x80, s20, s20, $0xb8;
	[tilespmem:$0x1BE00] =	vst v63  }
0x5c: {  	_ =	swait.ge [sflag:s31], $0x4000  }
0x5d: {  	[sflag:s31] =	ssyncset.done $0x0  }
0x5e: {  	[sflag:s31] =	ssyncadd.s32 $0xFFFFC000  }
0x5f: {  	[spmem:s1] =	stream.indirect.scatter.add.f32 [tilespmem:s29], [sflag:$0x6], $0x80, s22, s20, $0xb8;
	[tilespmem:$0x1BE00] =	vst v63  }
0x60: {  	_ =	swait.ge [sflag:s0], $0x4000  }
0x61: {  	[sflag:s0] =	ssyncset.done $0x0  }
0x62: {  	s9 =	sadd.s32 s8, s17;
	[sflag:s0] =	ssyncadd.s32 $0xFFFFC000  }
0x63: {  	[tilespmem:s2], [sflag:$0x1] =	stream.linear.gather [hbm4b:s9+s2], $0x80, $0x38;
	[tilespmem:$0x1BE00] =	vst v63  }
0x64: {  	s9 =	sadd.s32 s8, s16  }
0x65: {  	[tilespmem:s20], [sflag:$0x1] =	stream.linear.gather [hbm4b:s9+s2], $0x80, $0x38;
	[tilespmem:$0x1BE00] =	vst v63  }
.Ltmp0:
0x66: {  	_ =	swait.ge [sflag:s3], $0x4000;
	(pc) =	sbr.rel @p1 .LBB2_2-.Ltmp0, $4  }
0x67: {  	[sflag:s3] =	ssyncset.done $0x0  }
0x68: {  	s9 =	sadd.s32 s8, s15;
	[sflag:s3] =	ssyncadd.s32 $0xFFFFC000  }
0x69: {  	[tilespmem:s21], [sflag:$0x2] =	stream.linear.gather [hbm4b:s9+s2], $0x80, $0x38;
	[tilespmem:$0x1BE00] =	vst v63  }
0x6a: {  	s8 =	sadd.s32 s8, s14  }
0x6b: {  	[tilespmem:s22], [sflag:$0x2] =	stream.linear.gather [hbm4b:s8+s2], $0x80, $0x38;
	[tilespmem:$0x1BE00] =	vst v63  }
0x6c: {  	_ =	swait.ge [sflag:s23], $0x80  }
0x6d: {  	[sflag:s23] =	ssyncset.done $0x0  }
0x6e: {  	[sflag:s23] =	ssyncadd.s32 $0xFFFFFF80  }
0x6f: {  	_ =	swait.ge [sflag:s23], $0x80  }
0x70: {  	[sflag:s23] =	ssyncset.done $0x0  }
0x71: {  	[sflag:s23] =	ssyncadd.s32 $0xFFFFFF80  }
0x72: {  	[tilespmem:s26], [sflag:$0x3] =	stream.indirect.gather [hbm4b:s4+s20], $0x80, s2, s20, $0xb8;
	[tilespmem:$0x1BE00] =	vst v63  }
0x73: {  	_ =	swait.ge [sflag:s28], $0x80  }
0x74: {  	[sflag:s28] =	ssyncset.done $0x0  }
0x75: {  	[sflag:s28] =	ssyncadd.s32 $0xFFFFFF80  }
0x76: {  	_ =	swait.ge [sflag:s28], $0x80  }
0x77: {  	[sflag:s28] =	ssyncset.done $0x0  }
0x78: {  	[sflag:s28] =	ssyncadd.s32 $0xFFFFFF80  }
0x79: {  	[tilespmem:s29], [sflag:$0x4] =	stream.indirect.gather [hbm4b:s4+s20], $0x80, s21, s20, $0xb8;
	[tilespmem:$0x1BE00] =	vst v63  }
0x7a: {  	_ =	swait.ge [sflag:s30], $0x4000  }
0x7b: {  	[sflag:s30] =	ssyncset.done $0x0  }
0x7c: {  	[sflag:s30] =	ssyncadd.s32 $0xFFFFC000  }
0x7d: {  	[spmem:s1] =	stream.indirect.scatter.add.f32 [tilespmem:s26], [sflag:$0x5], $0x80, s20, s20, $0xb8;
	[tilespmem:$0x1BE00] =	vst v63  }
0x7e: {  	_ =	swait.ge [sflag:s31], $0x4000  }
0x7f: {  	[sflag:s31] =	ssyncset.done $0x0  }
0x80: {  	[sflag:s31] =	ssyncadd.s32 $0xFFFFC000  }
0x81: {  	[spmem:s1] =	stream.indirect.scatter.add.f32 [tilespmem:s29], [sflag:$0x6], $0x80, s22, s20, $0xb8;
	[tilespmem:$0x1BE00] =	vst v63  }
0x82: {  	_ =	swait.ge [sflag:s0], $0x4000  }
0x83: {  	[sflag:s0] =	ssyncset.done $0x0  }
0x84: {  	[sflag:s0] =	ssyncadd.s32 $0xFFFFC000  }
0x85: {  	_ =	swait.ge [sflag:s3], $0x4000  }
0x86: {  	[sflag:s3] =	ssyncset.done $0x0  }
0x87: {  	[sflag:s3] =	ssyncadd.s32 $0xFFFFC000  }
0x88: {  	[bflag:$0x0] =	sbarrier.arrive $0xFFFF  }
0x89: {  	[hbm:s11], [sflag:s6] =	dma.local [spmem:s24], $0x2700  }
0x8a: {  	s5 =	sadd.s32 $0x1, s5;
	_ =	swait.ge [sflag:s19], $0x2700  }
0x8b: {  	p1 =	sne.s32 s5, s13;
	[sflag:s19] =	ssyncset.done $0x0  }
.Ltmp1:
0x8c: {  	s7 =	simm.s32 @!p0 $0x7;
	[sflag:s19] =	ssyncadd.s32 $0xFFFFD900;
	(pc) =	sbr.rel @p1 .LBB2_1-.Ltmp1, $4  }
0x8d: {  	[hbm:s12], [sflag:s6] =	dma.local @!p0 [spmem:s25], $0x100  }
0x8e: {  	_ =	swait.ge @!p0 [sflag:s7], $0x100  }
0x8f: {  	[sflag:s7] =	ssyncset.done @!p0 $0x0  }
0x90: {  	[sflag:s7] =	ssyncadd.s32 @!p0 $0xFFFFFF00  }
0x91: {  	_ =	sfence.sel $0x180000  }
0x92: {  	[bflag:$0x0] =	sbarrier.arrive $0xFFFF  }
0x93: {  	_ =	strace $0x90000047  }
0x94: {  	s0 =	stileid.u32;
	[bflag:$0x2] =	sbarrier.arrive $0xFFFF  }
0x95: {  	p0 =	sne.s32 s0, $0x0;
	s0 =	rddreg [dreg:$0x2]  }
0x96: {  	s0 =	sadd.s32 @!p0 $0x100000, s0  }
0x97: {  	[sflag:s0] =	ssyncadd.tile.s32 @!p0 $0x1;
	_ =	shalt  }
.Lfunc_end2:
_tile_overlayer_lowered:
.L_overlay_start_2:
0x98: {  	(tag) =	ssettag $0x2  }
0x99: {  	s0 =	rddreg [dreg:$0x0];
	s2 =	stileid.u32  }
0x9a: {  	s1 =	rddreg [dreg:$0x1];
	p0 =	sne.s32 s2, $0x0  }
0x9b: {  	s3 =	rddreg [dreg:$0x2];
	[bflag:$0x3] =	sbarrier.arrive $0xFFFF;
	s2 =	simm.s32 @!p0 $0x1C07  }
0x9c: {  	[timem:s3], [sflag:s2] =	dma.local @!p0 [hbm:s0], s1  }
0x9d: {  	s0 =	simm.s32 @!p0 $0x7  }
0x9e: {  	_ =	swait.ge @!p0 [sflag:s0], s1  }
0x9f: {  	s1 =	ssub.s32 @!p0 $0x0, s1;
	[sflag:s0] =	ssyncset.done @!p0 $0x0  }
0xa0: {  	[sflag:s0] =	ssyncadd.s32 @!p0 s1  }
0xa1: {  	[bflag:$0x3] =	sbarrier.arrive $0xFFFF  }
0xa2: {  	_ =	shalt  }

// kernel: kernel.14.cloned.1.call-start
scs
__scs_entry_jumppad:
0x0: {  	(pc) =	sbr.rel $0x88, $3  }
0x1: {  	(tag) =	ssettag $0x0;
	lr =	simm.s32 $0x1  }
0x2: {  	[smem:$0x3F8F] =	sst lr;
	_ =	strace $0xD0000000  }
0x3: {  	_ = 	snop  }
0x4: {  	_ = 	snop  }
0x5: {  	_ = 	snop  }
0x6: {  	_ = 	snop  }
0x7: {  	_ = 	snop  }
__scs_overlays_trampoline_lowered:
0x8: {  	[smem:$0x3F9E] =	sst s0  }
0x9: {  	[smem:$0x3F9F] =	sst s1  }
0xa: {  	[smem:$0x3FA0] =	sst s2  }
0xb: {  	[smem:$0x3FA1] =	sst s3  }
0xc: {  	[smem:$0x3FA2] =	sst s4  }
0xd: {  	[smem:$0x3FA3] =	sst s5  }
0xe: {  	[smem:$0x3FA4] =	sst s6  }
0xf: {  	[smem:$0x3FA5] =	sst s7  }
0x10: {  	[smem:$0x3FA6] =	sst s8  }
0x11: {  	[smem:$0x3FA7] =	sst s9;
	s0 =	simm.s32 @!p0 $0x0  }
0x12: {  	s1 =	sld [smem:$0x3F8D];
	s0 =	simm.s32 @p0 $0x1  }
0x13: {  	[smem:$0x3FA8] =	sst s0;
	s0 =	simm.s32 @!p1 $0x0  }
0x14: {  	s2 =	sld [smem:$0x3F8C];
	s0 =	simm.s32 @p1 $0x1  }
0x15: {  	[smem:$0x3FA9] =	sst s0;
	s0 =	simm.s32 @!p2 $0x0  }
0x16: {  	s3 =	sld [smem:$0x3FDB];
	s0 =	simm.s32 @p2 $0x1  }
0x17: {  	s4 =	simm.s32 $0x1BF5;
	[smem:$0x3FAB] =	sst s0  }
0x18: {  	s0 =	sld [smem:$0x3F8E];
	_ =	swait.ge [sflag:s4], $0x0  }
0x19: {  	s7 =	sld [smem:$0x3F8F]  }
0x1a: {  	s8 =	sadd.s32 $0xFFFFE003, lr  }
0x1b: {  	s9 =	sadd.s32 $0xFFFFFEF7, lr;
	s5 =	simm.s32 $0xFFFFFFFF;
	p2 =	slt.u32 s8, $0xFFFFF086  }
0x1c: {  	p1 =	slt.u32 s9, $0xF7A;
	s5 =	simm.s32 @!p2 $0x0  }
0x1d: {  	s5 =	simm.s32 @p1 $0x1;
	p0 =	seq.s32 s7, s2  }
0x1e: {  	s7 =	smul.u32 @!p0 $0xF7A, s2;
	p2 =	seq.s32 @!p0 s5, $0x0  }
0x1f: {  	s9 =	smul.u32 $0xF7A, s1;
	s8 =	simm.s32 @!p0 $0x1BF5;
	p2 =	por !p2, p0  }
0x20: {  	[sflag:s8] =	ssyncset.s32 @!p0 $0xFFFFF086;
	s6 =	sadd.s32 @!p0 s3, s7;
	s7 =	simm.s32 @!p0 $0x108  }
0x21: {  	s3 =	sadd.s32 s3, s9;
	s6 =	sadd.s32 @!p0 $0x88, s6;
	s7 =	simm.s32 @p2 $0x1082  }
0x22: {  	[simem:s7], [sflag:s8] =	dma.local @!p0 [hbm:s6], $0xF7A  }
0x23: {  	s9 =	sor.u32 $0xD0000000, s2;
	s6 =	simm.s32 $0x108;
	_ =	swait.ge @!p0 [sflag:s8], $0x0  }
0x24: {  	s3 =	sadd.s32 $0x88, s3;
	s6 =	simm.s32 @!p1 $0x1082;
	[sflag:s4] =	ssyncset.s32 $0xFFFFF086  }
0x25: {  	[simem:s6], [sflag:s4] =	dma.local [hbm:s3], $0xF7A  }
0x26: {  	[smem:$0x3F8F] =	sst s1;
	(tag) =	ssettag s2;
	_ =	strace s9  }
0x27: {  	s1 =	sld [smem:$0x3F9F]  }
0x28: {  	s2 =	sld [smem:$0x3FA0]  }
0x29: {  	s4 =	sld [smem:$0x3FA2]  }
0x2a: {  	p0 =	seq.s32 s5, $0x0;
	s5 =	sld [smem:$0x3FA3]  }
0x2b: {  	s6 =	sld [smem:$0x3FA4]  }
0x2c: {  	s7 =	sld [smem:$0x3FA5]  }
0x2d: {  	s3 =	simm.s32 $0x108;
	s8 =	sld [smem:$0x3FA6]  }
0x2e: {  	s3 =	simm.s32 @!p0 $0x1082;
	s9 =	sld [smem:$0x3FA7]  }
0x2f: {  	lr =	sadd.s32 s0, s3;
	s0 =	sld [smem:$0x3F9E]  }
0x30: {  	s3 =	sld [smem:$0x3FA1]  }
0x31: {  	[smem:$0x3FAA] =	sst s10  }
0x32: {  	s10 =	sld [smem:$0x3FA8];
	_ =	sdelay $0x3  }
0x33: {  	p0 =	seq.s32 s10, $0x1;
	s10 =	sld [smem:$0x3FAA];
	_ =	sdelay $0x3  }
0x34: {  	[smem:$0x3FAA] =	sst s10  }
0x35: {  	s10 =	sld [smem:$0x3FA9];
	_ =	sdelay $0x3  }
0x36: {  	p1 =	seq.s32 s10, $0x1;
	s10 =	sld [smem:$0x3FAA];
	_ =	sdelay $0x3  }
0x37: {  	[smem:$0x3FAA] =	sst s10  }
0x38: {  	s10 =	sld [smem:$0x3FAB]  }
0x39: {  	_ = 	snop;
	(pc) =	sbr.ind lr, $3  }
0x3a: {  	_ = 	snop  }
0x3b: {  	_ = 	snop  }
0x3c: {  	p2 =	seq.s32 s10, $0x1;
	s10 =	sld [smem:$0x3FAA]  }
0x3d: {  	_ =	shalt  }
0x3e: {  	_ =	shalt  }
0x3f: {  	_ =	shalt  }
0x40: {  	_ =	shalt  }
0x41: {  	_ =	shalt  }
0x42: {  	_ =	shalt  }
0x43: {  	_ =	shalt  }
0x44: {  	_ =	shalt  }
0x45: {  	_ =	shalt  }
0x46: {  	_ =	shalt  }
0x47: {  	_ =	shalt  }
0x48: {  	_ =	shalt  }
0x49: {  	_ =	shalt  }
0x4a: {  	_ =	shalt  }
0x4b: {  	_ =	shalt  }
0x4c: {  	_ =	shalt  }
0x4d: {  	_ =	shalt  }
0x4e: {  	_ =	shalt  }
0x4f: {  	_ =	shalt  }
0x50: {  	_ =	shalt  }
0x51: {  	_ =	shalt  }
0x52: {  	_ =	shalt  }
0x53: {  	_ =	shalt  }
0x54: {  	_ =	shalt  }
0x55: {  	_ =	shalt  }
0x56: {  	_ =	shalt  }
0x57: {  	_ =	shalt  }
0x58: {  	_ =	shalt  }
0x59: {  	_ =	shalt  }
0x5a: {  	_ =	shalt  }
0x5b: {  	_ =	shalt  }
0x5c: {  	_ =	shalt  }
0x5d: {  	_ =	shalt  }
0x5e: {  	_ =	shalt  }
0x5f: {  	_ =	shalt  }
0x60: {  	_ =	shalt  }
0x61: {  	_ =	shalt  }
0x62: {  	_ =	shalt  }
0x63: {  	_ =	shalt  }
0x64: {  	_ =	shalt  }
0x65: {  	_ =	shalt  }
0x66: {  	_ =	shalt  }
0x67: {  	_ =	shalt  }
0x68: {  	_ =	shalt  }
0x69: {  	_ =	shalt  }
0x6a: {  	_ =	shalt  }
0x6b: {  	_ =	shalt  }
0x6c: {  	_ =	shalt  }
0x6d: {  	_ =	shalt  }
0x6e: {  	_ =	shalt  }
0x6f: {  	_ =	shalt  }
0x70: {  	_ =	shalt  }
0x71: {  	_ =	shalt  }
0x72: {  	_ =	shalt  }
0x73: {  	_ =	shalt  }
0x74: {  	_ =	shalt  }
0x75: {  	_ =	shalt  }
0x76: {  	_ =	shalt  }
0x77: {  	_ =	shalt  }
0x78: {  	_ =	shalt  }
0x79: {  	_ =	shalt  }
0x7a: {  	_ =	shalt  }
0x7b: {  	_ =	shalt  }
0x7c: {  	_ =	shalt  }
0x7d: {  	_ =	shalt  }
0x7e: {  	_ =	shalt  }
0x7f: {  	_ =	shalt  }
0x80: {  	_ =	shalt  }
0x81: {  	_ =	shalt  }
0x82: {  	_ =	shalt  }
0x83: {  	_ =	shalt  }
0x84: {  	_ =	shalt  }
0x85: {  	_ =	shalt  }
0x86: {  	_ =	shalt  }
0x87: {  	_ =	shalt  }
.Lfunc_end0:
.L_simem_size_0:
called_computation.2_lowered:
.L_overlay_start_0:
0x88: {  	s2 =	sld [smem:$0x3FD9]  }
0x89: {  	s3 =	sld [smem:$0x3FFE];
	_ =	sdelay $0x1  }
0x8a: {  	s1 =	srdreg.scid  }
0x8b: {  	s0 =	sand.u32 $0x1, s1  }
0x8c: {  	s16 =	sshll.u32 s0, $0xA;
	s2 =	sadd.s32 s3, s2  }
0x8d: {  	s2 =	sadd.s32 s2, s16  }
0x8e: {  	[smem:$0x3FB6] =	sst s2  }
0x8f: {  	_ = 	snop  }
0x90: {  	(tm) =	ssettm $0x1  }
0x91: {  	s17 =	sld [smem:$0x3FFB];
	_ =	sdelay $0x3  }
0x92: {  	_ =	strace s17  }
0x93: {  	s2 =	sld [smem:$0x3FFC];
	_ =	sdelay $0x3  }
0x94: {  	_ =	strace s2  }
0x95: {  	s2 =	sld [smem:$0x3FFD];
	_ =	sdelay $0x3  }
0x96: {  	_ =	strace s2  }
0x97: {  	_ =	strace $0x8FFFFFFF  }
0x98: {  	s18 =	sld [smem:$0x3FDB];
	_ =	sdelay $0x1  }
0x99: {  	s19 =	simm.s32 $_scs_section_size  }
0x9a: {  	s4 =	simm.s32 $_size__tile_overlayer_lowered;
	s5 =	simm.s32 $_tile_overlayer_lowered  }
0x9b: {  	s22 =	simm.s32 $0x1BFF;
	s21 =	sshll.u32 s5, $0x1;
	s2 =	sadd.s32 s19, s18  }
0x9c: {  	s6 =	simm.s32 $0x0;
	s20 =	sshll.u32 s4, $0x1;
	s4 =	sadd.s32 s21, s2  }
0x9d: {  	[timem:s6], [sflag:s22] =	dma.local [hbm:s4], s20  }
0x9e: {  	_ =	swait.ge [sflag:s22], s20  }
0x9f: {  	s3 =	ssub.s32 $0x0, s20;
	[sflag:s22] =	ssyncset.done $0x0  }
0xa0: {  	[sflag:s22] =	ssyncadd.s32 s3;
	_ =	sdelay $0x1  }
0xa1: {  	s23 =	simm.s32 $0x1B8B  }
0xa2: {  	_ =	swait.ge [sflag:s23], $0x1  }
0xa3: {  	[sflag:s23] =	ssyncset.done $0x0  }
0xa4: {  	s25 =	simm.s32 $0x1B8E;
	s24 =	sld [smem:$0x3FFE];
	[sflag:s23] =	ssyncadd.s32 $0xFFFFFFFF  }
0xa5: {  	s26 =	simm.s32 $execute0_lowered;
	[smem:$0x3FD2] =	sst s25  }
0xa6: {  	s4 =	sshll.u32 s26, $0x1;
	_ =	strace $0x8000004C;
	[dreg:$0x1] =	wrdreg $0xFFFFFFFF  }
0xa7: {  	s28 =	simm.s32 $_size_execute0_lowered;
	s2 =	sadd.s32 s2, s4;
	[dreg:$0x0] =	wrdreg $0x0  }
0xa8: {  	s4 =	sshll.u32 s28, $0x1;
	[dreg:$0x2] =	wrdreg s2  }
0xa9: {  	[dreg:$0x3] =	wrdreg s4  }
0xaa: {  	[dreg:$0x4] =	wrdreg $0xC0  }
0xab: {  	_ =	task [dreg:s6], $0x5FFFF  }
0xac: {  	[dreg:$0x1] =	wrdreg $0xFFFFFFFF  }
0xad: {  	[dreg:$0x0] =	wrdreg $0x60  }
0xae: {  	[dreg:$0x2] =	wrdreg s24  }
0xaf: {  	[dreg:$0x3] =	wrdreg $0x82000  }
0xb0: {  	[dreg:$0x4] =	wrdreg $0x9  }
0xb1: {  	_ =	task.clear_ibuf [dreg:s6], $0x5FFFF;
	_ =	strace $0x9000004C  }
0xb2: {  	s29 =	simm.s32 $0x9;
	_ =	strace $0x8000004E  }
0xb3: {  	_ =	swait.ge [sflag:s29], $0x1  }
0xb4: {  	[sflag:s29] =	ssyncadd.s32 $0xFFFFFFFF  }
0xb5: {  	_ =	strace $0x9000004E  }
0xb6: {  	_ =	sfence  }
0xb7: {  	s30 =	sld [smem:$0x0];
	_ =	sdelay $0x2  }
0xb8: {  	s31 =	sshll.u32 s1, $0xD;
	s1 =	sshrl.u32 s1, $0x2  }
0xb9: {  	s3 =	sand.u32 $0x4000, s31;
	s1 =	sadd.s32 s1, s30  }
0xba: {  	s0 =	sor.u32 s3, s0;
	s1 =	sshll.u32 s1, $0x11  }
0xbb: {  	s0 =	sor.u32 s1, s0  }
0xbc: {  	s0 =	sadd.s32 $0x8F2B, s0  }
0xbd: {  	[sflag:s0] =	ssyncadd.remote.s32 $0x1  }
0xbe: {  	_ =	sfence.sel $0xFFFF  }
0xbf: {  	[dreg:$0x0] =	wrdreg $0xFFFFFFFF;
	(pc) =	sbr.abs _section_cstart, $3  }
0xc0: {  	[dreg:$0x1] =	wrdreg $0xFFFFFFFF  }
0xc1: {  	_ =	task.clear_ibuf [dreg:s6], $0x2FFFF;
	_ =	strace $0x9FFFFFFF  }
0xc2: {  	(tm) =	ssettm $0x7FFFFFFF  }
0xc3: {  	_ =	shalt  }
tec
execute0_lowered:
.L_overlay_start_1:
0x0: {  	(tag) =	ssettag $0x1  }
0x1: {  	s0 =	rddreg [dreg:$0x0]  }
0x2: {  	s1 =	rddreg [dreg:$0x1];
	s2 =	simm.s32 $0x0  }
0x3: {  	s5 =	srdreg.scid;
	s26 =	stileid.u32;
	s28 =	simm.s32 $0x2  }
0x4: {  	s29 =	simm.s32 $0x4200;
	s30 =	simm.s32 $0x3;
	s31 =	simm.s32 $0x4  }
0x5: {  	[smem:$0x7FF] =	sst s2;
	s4 =	sadd.s32 $0x3800, s0;
	s8 =	smul.u32 $0x4F000, s26  }
0x6: {  	s3 =	sadd.s32 $0x51A00, s0;
	s7 =	sadd.s32 $0x65A00, s0;
	s11 =	smul.u32 $0x4E000, s26  }
0x7: {  	s5 =	sand.u32 $0x1, s5;
	s6 =	sadd.s32 $0x79A00, s0;
	s14 =	smul.u32 $0x2700, s26  }
0x8: {  	s0 =	sadd.s32 $0x7C200, s0;
	s16 =	sshll.u32 s26, $0x6;
	s21 =	smul.u32 $0x5000, s26  }
0x9: {  	s25 =	sadd.s32 $0x138000, s1;
	p0 =	sne.s32 s26, $0xF;
	_ =	strace $0x8000004D  }
0xa: {  	[dreg:$0x3] =	wrdreg s6;
	s15 =	sshll.u32 s5, $0x4;
	s9 =	ssub.s32 $0x2, s5  }
0xb: {  	s12 =	smul.u32 $0x27100, s5;
	s25 =	sshrl.u32 @!p0 s25, $0x3;
	s6 =	sor.u32 s26, s15  }
0xc: {  	s10 =	sshrl.u32 s9, $0x1;
	s8 =	sshrl.u32 s8, $0x2;
	s15 =	smul.u32 $0x138800, s5  }
0xd: {  	s5 =	smul.u32 $0x50000, s5;
	s11 =	sshrl.u32 s11, $0x2;
	s26 =	simm.s32 $0x200  }
0xe: {  	s6 =	smul.u32 $0x5000, s6;
	s13 =	ssub.s32 s9, s10;
	s12 =	sadd.s32 s14, s12  }
0xf: {  	s8 =	sadd.s32 s8, s1;
	s24 =	sadd.s32 s11, s1;
	s11 =	sadd.s32 s0, s12  }
0x10: {  	s22 =	sshrl.u32 s15, $0x3;
	s5 =	sadd.s32 s21, s5;
	s13 =	smax.u32 s13, $0x1  }
0x11: {  	s21 =	simm.s32 $0x100;
	s24 =	sshrl.u32 s24, $0x3;
	s17 =	sshrl.u32 s6, $0x3  }
0x12: {  	s6 =	sor.u32 $0x1C07, s16;
	s0 =	sadd.s32 s0, s22;
	s23 =	sor.u32 $0x180, s5  }
0x13: {  	s5 =	sor.u32 $0x100, s5;
	s22 =	simm.s32 $0x180;
	s18 =	sadd.s32 s3, s17  }
0x14: {  	s19 =	sadd.s32 s7, s17;
	s10 =	sor.u32 $0x10, s17;
	s12 =	sadd.s32 $0x27000, s0  }
0x15: {  	s0 =	sshrl.u32 s23, $0x3;
	s5 =	sshrl.u32 s5, $0x3;
	[dreg:$0x4] =	wrdreg s18  }
0x16: {  	s23 =	simm.s32 $0x1;
	[dreg:$0x5] =	wrdreg s19;
	s20 =	sadd.s32 s3, s10  }
0x17: {  	s10 =	sadd.s32 s7, s10;
	s14 =	sadd.s32 s0, s7;
	s15 =	sadd.s32 s0, s3  }
0x18: {  	s16 =	sadd.s32 s5, s7;
	s17 =	sadd.s32 s5, s3;
	s18 =	sshrl.u32 s8, $0x3  }
0x19: {  	s19 =	simm.s32 $0x7;
	s0 =	simm.s32 $0x5;
	s3 =	simm.s32 $0x6  }
0x1a: {  	s5 =	simm.s32 $0x0;
	[dreg:$0x6] =	wrdreg s20;
	s20 =	simm.s32 $0x80  }
.LBB2_1:
0x1b: {  	s7 =	rddreg [dreg:$0x3]  }
0x1c: {  	[spmem:s18], [sflag:s6] =	dma.local [hbm:s7], $0x2780  }
0x1d: {  	_ =	swait.ge [sflag:s19], $0x2780  }
0x1e: {  	[sflag:s19] =	ssyncset.done $0x0  }
0x1f: {  	s8 =	rddreg [dreg:$0x4];
	[sflag:s19] =	ssyncadd.s32 $0xFFFFD880  }
0x20: {  	[tilespmem:s2], [sflag:$0x1] =	stream.linear.gather [hbm4b:s8+s2], $0x80, $0x38;
	[tilespmem:$0x1BE00] =	vst v63  }
0x21: {  	s9 =	rddreg [dreg:$0x5]  }
0x22: {  	[tilespmem:s20], [sflag:$0x1] =	stream.linear.gather [hbm4b:s9+s2], $0x80, $0x38;
	[tilespmem:$0x1BE00] =	vst v63  }
0x23: {  	s8 =	rddreg [dreg:$0x6]  }
0x24: {  	[tilespmem:s21], [sflag:$0x2] =	stream.linear.gather [hbm4b:s8+s2], $0x80, $0x38;
	[tilespmem:$0x1BE00] =	vst v63  }
0x25: {  	_ = 	snop  }
0x26: {  	[tilespmem:s22], [sflag:$0x2] =	stream.linear.gather [hbm4b:s10+s2], $0x80, $0x38;
	[tilespmem:$0x1BE00] =	vst v63  }
0x27: {  	[bflag:$0x0] =	sbarrier.arrive $0xFFFF  }
0x28: {  	_ =	swait.ge [sflag:s23], $0x80  }
0x29: {  	[sflag:s23] =	ssyncset.done $0x0  }
0x2a: {  	[sflag:s23] =	ssyncadd.s32 $0xFFFFFF80  }
0x2b: {  	_ =	swait.ge [sflag:s23], $0x80  }
0x2c: {  	[sflag:s23] =	ssyncset.done $0x0  }
0x2d: {  	[sflag:s23] =	ssyncadd.s32 $0xFFFFFF80  }
0x2e: {  	[tilespmem:s26], [sflag:$0x3] =	stream.indirect.gather [hbm4b:s4+s20], $0x80, s2, s20, $0xb8;
	[tilespmem:$0x1BE00] =	vst v63  }
0x2f: {  	_ =	swait.ge [sflag:s28], $0x80  }
0x30: {  	[sflag:s28] =	ssyncset.done $0x0  }
0x31: {  	[sflag:s28] =	ssyncadd.s32 $0xFFFFFF80  }
0x32: {  	_ =	swait.ge [sflag:s28], $0x80  }
0x33: {  	[sflag:s28] =	ssyncset.done $0x0  }
0x34: {  	[sflag:s28] =	ssyncadd.s32 $0xFFFFFF80  }
0x35: {  	[tilespmem:s29], [sflag:$0x4] =	stream.indirect.gather [hbm4b:s4+s20], $0x80, s21, s20, $0xb8;
	[tilespmem:$0x1BE00] =	vst v63  }
0x36: {  	_ =	swait.ge [sflag:s30], $0x4000  }
0x37: {  	[sflag:s30] =	ssyncset.done $0x0  }
0x38: {  	[sflag:s30] =	ssyncadd.s32 $0xFFFFC000  }
0x39: {  	[spmem:s1] =	stream.indirect.scatter.add.f32 [tilespmem:s26], [sflag:$0x5], $0x80, s20, s20, $0xb8;
	[tilespmem:$0x1BE00] =	vst v63  }
0x3a: {  	_ =	swait.ge [sflag:s31], $0x4000  }
0x3b: {  	[sflag:s31] =	ssyncset.done $0x0  }
0x3c: {  	[sflag:s31] =	ssyncadd.s32 $0xFFFFC000  }
0x3d: {  	[spmem:s1] =	stream.indirect.scatter.add.f32 [tilespmem:s29], [sflag:$0x6], $0x80, s22, s20, $0xb8;
	[tilespmem:$0x1BE00] =	vst v63  }
0x3e: {  	_ =	swait.ge [sflag:s0], $0x4000  }
0x3f: {  	[sflag:s0] =	ssyncset.done $0x0  }
0x40: {  	s9 =	sadd.s32 $0x0, s17;
	[sflag:s0] =	ssyncadd.s32 $0xFFFFC000  }
0x41: {  	[tilespmem:s2], [sflag:$0x1] =	stream.linear.gather [hbm4b:s9+s2], $0x80, $0x38;
	[tilespmem:$0x1BE00] =	vst v63  }
0x42: {  	s8 =	sadd.s32 $0x0, s16  }
0x43: {  	[tilespmem:s20], [sflag:$0x1] =	stream.linear.gather [hbm4b:s8+s2], $0x80, $0x38;
	[tilespmem:$0x1BE00] =	vst v63  }
0x44: {  	_ =	swait.ge [sflag:s3], $0x4000  }
0x45: {  	s7 =	simm.s32 $0x20;
	[sflag:s3] =	ssyncset.done $0x0  }
0x46: {  	s9 =	sadd.s32 $0x0, s15;
	s8 =	sadd.s32 $0x0, s14;
	[sflag:s3] =	ssyncadd.s32 $0xFFFFC000  }
0x47: {  	[tilespmem:s21], [sflag:$0x2] =	stream.linear.gather [hbm4b:s9+s2], $0x80, $0x38;
	[tilespmem:$0x1BE00] =	vst v63  }
.LBB2_2:
0x48: {  	[tilespmem:s22], [sflag:$0x2] =	stream.linear.gather [hbm4b:s8+s2], $0x80, $0x38;
	[tilespmem:$0x1BE00] =	vst v63  }
0x49: {  	s8 =	smov.u32 s7  }
0x4a: {  	p1 =	sne.s32 s7, $0x9C0;
	s7 =	sadd.s32 $0x20, s7;
	_ =	swait.ge [sflag:s23], $0x80  }
0x4b: {  	[sflag:s23] =	ssyncset.done $0x0  }
0x4c: {  	[sflag:s23] =	ssyncadd.s32 $0xFFFFFF80  }
0x4d: {  	_ =	swait.ge [sflag:s23], $0x80  }
0x4e: {  	[sflag:s23] =	ssyncset.done $0x0  }
0x4f: {  	[sflag:s23] =	ssyncadd.s32 $0xFFFFFF80  }
0x50: {  	[tilespmem:s26], [sflag:$0x3] =	stream.indirect.gather [hbm4b:s4+s20], $0x80, s2, s20, $0xb8;
	[tilespmem:$0x1BE00] =	vst v63  }
0x51: {  	_ =	swait.ge [sflag:s28], $0x80  }
0x52: {  	[sflag:s28] =	ssyncset.done $0x0  }
0x53: {  	[sflag:s28] =	ssyncadd.s32 $0xFFFFFF80  }
0x54: {  	_ =	swait.ge [sflag:s28], $0x80  }
0x55: {  	[sflag:s28] =	ssyncset.done $0x0  }
0x56: {  	[sflag:s28] =	ssyncadd.s32 $0xFFFFFF80  }
0x57: {  	[tilespmem:s29], [sflag:$0x4] =	stream.indirect.gather [hbm4b:s4+s20], $0x80, s21, s20, $0xb8;
	[tilespmem:$0x1BE00] =	vst v63  }
0x58: {  	_ =	swait.ge [sflag:s30], $0x4000  }
0x59: {  	[sflag:s30] =	ssyncset.done $0x0  }
0x5a: {  	[sflag:s30] =	ssyncadd.s32 $0xFFFFC000  }
0x5b: {  	[spmem:s1] =	stream.indirect.scatter.add.f32 [tilespmem:s26], [sflag:$0x5], $0x80, s20, s20, $0xb8;
	[tilespmem:$0x1BE00] =	vst v63  }
0x5c: {  	_ =	swait.ge [sflag:s31], $0x4000  }
0x5d: {  	[sflag:s31] =	ssyncset.done $0x0  }
0x5e: {  	[sflag:s31] =	ssyncadd.s32 $0xFFFFC000  }
0x5f: {  	[spmem:s1] =	stream.indirect.scatter.add.f32 [tilespmem:s29], [sflag:$0x6], $0x80, s22, s20, $0xb8;
	[tilespmem:$0x1BE00] =	vst v63  }
0x60: {  	_ =	swait.ge [sflag:s0], $0x4000  }
0x61: {  	[sflag:s0] =	ssyncset.done $0x0  }
0x62: {  	s9 =	sadd.s32 s8, s17;
	[sflag:s0] =	ssyncadd.s32 $0xFFFFC000  }
0x63: {  	[tilespmem:s2], [sflag:$0x1] =	stream.linear.gather [hbm4b:s9+s2], $0x80, $0x38;
	[tilespmem:$0x1BE00] =	vst v63  }
0x64: {  	s9 =	sadd.s32 s8, s16  }
0x65: {  	[tilespmem:s20], [sflag:$0x1] =	stream.linear.gather [hbm4b:s9+s2], $0x80, $0x38;
	[tilespmem:$0x1BE00] =	vst v63  }
.Ltmp0:
0x66: {  	_ =	swait.ge [sflag:s3], $0x4000;
	(pc) =	sbr.rel @p1 .LBB2_2-.Ltmp0, $4  }
0x67: {  	[sflag:s3] =	ssyncset.done $0x0  }
0x68: {  	s9 =	sadd.s32 s8, s15;
	[sflag:s3] =	ssyncadd.s32 $0xFFFFC000  }
0x69: {  	[tilespmem:s21], [sflag:$0x2] =	stream.linear.gather [hbm4b:s9+s2], $0x80, $0x38;
	[tilespmem:$0x1BE00] =	vst v63  }
0x6a: {  	s8 =	sadd.s32 s8, s14  }
0x6b: {  	[tilespmem:s22], [sflag:$0x2] =	stream.linear.gather [hbm4b:s8+s2], $0x80, $0x38;
	[tilespmem:$0x1BE00] =	vst v63  }
0x6c: {  	_ =	swait.ge [sflag:s23], $0x80  }
0x6d: {  	[sflag:s23] =	ssyncset.done $0x0  }
0x6e: {  	[sflag:s23] =	ssyncadd.s32 $0xFFFFFF80  }
0x6f: {  	_ =	swait.ge [sflag:s23], $0x80  }
0x70: {  	[sflag:s23] =	ssyncset.done $0x0  }
0x71: {  	[sflag:s23] =	ssyncadd.s32 $0xFFFFFF80  }
0x72: {  	[tilespmem:s26], [sflag:$0x3] =	stream.indirect.gather [hbm4b:s4+s20], $0x80, s2, s20, $0xb8;
	[tilespmem:$0x1BE00] =	vst v63  }
0x73: {  	_ =	swait.ge [sflag:s28], $0x80  }
0x74: {  	[sflag:s28] =	ssyncset.done $0x0  }
0x75: {  	[sflag:s28] =	ssyncadd.s32 $0xFFFFFF80  }
0x76: {  	_ =	swait.ge [sflag:s28], $0x80  }
0x77: {  	[sflag:s28] =	ssyncset.done $0x0  }
0x78: {  	[sflag:s28] =	ssyncadd.s32 $0xFFFFFF80  }
0x79: {  	[tilespmem:s29], [sflag:$0x4] =	stream.indirect.gather [hbm4b:s4+s20], $0x80, s21, s20, $0xb8;
	[tilespmem:$0x1BE00] =	vst v63  }
0x7a: {  	_ =	swait.ge [sflag:s30], $0x4000  }
0x7b: {  	[sflag:s30] =	ssyncset.done $0x0  }
0x7c: {  	[sflag:s30] =	ssyncadd.s32 $0xFFFFC000  }
0x7d: {  	[spmem:s1] =	stream.indirect.scatter.add.f32 [tilespmem:s26], [sflag:$0x5], $0x80, s20, s20, $0xb8;
	[tilespmem:$0x1BE00] =	vst v63  }
0x7e: {  	_ =	swait.ge [sflag:s31], $0x4000  }
0x7f: {  	[sflag:s31] =	ssyncset.done $0x0  }
0x80: {  	[sflag:s31] =	ssyncadd.s32 $0xFFFFC000  }
0x81: {  	[spmem:s1] =	stream.indirect.scatter.add.f32 [tilespmem:s29], [sflag:$0x6], $0x80, s22, s20, $0xb8;
	[tilespmem:$0x1BE00] =	vst v63  }
0x82: {  	_ =	swait.ge [sflag:s0], $0x4000  }
0x83: {  	[sflag:s0] =	ssyncset.done $0x0  }
0x84: {  	[sflag:s0] =	ssyncadd.s32 $0xFFFFC000  }
0x85: {  	_ =	swait.ge [sflag:s3], $0x4000  }
0x86: {  	[sflag:s3] =	ssyncset.done $0x0  }
0x87: {  	[sflag:s3] =	ssyncadd.s32 $0xFFFFC000  }
0x88: {  	[bflag:$0x0] =	sbarrier.arrive $0xFFFF  }
0x89: {  	[hbm:s11], [sflag:s6] =	dma.local [spmem:s24], $0x2700  }
0x8a: {  	s5 =	sadd.s32 $0x1, s5;
	_ =	swait.ge [sflag:s19], $0x2700  }
0x8b: {  	p1 =	sne.s32 s5, s13;
	[sflag:s19] =	ssyncset.done $0x0  }
.Ltmp1:
0x8c: {  	s7 =	simm.s32 @!p0 $0x7;
	[sflag:s19] =	ssyncadd.s32 $0xFFFFD900;
	(pc) =	sbr.rel @p1 .LBB2_1-.Ltmp1, $4  }
0x8d: {  	[hbm:s12], [sflag:s6] =	dma.local @!p0 [spmem:s25], $0x100  }
0x8e: {  	_ =	swait.ge @!p0 [sflag:s7], $0x100  }
0x8f: {  	[sflag:s7] =	ssyncset.done @!p0 $0x0  }
0x90: {  	[sflag:s7] =	ssyncadd.s32 @!p0 $0xFFFFFF00  }
0x91: {  	_ =	sfence.sel $0x180000  }
0x92: {  	[bflag:$0x0] =	sbarrier.arrive $0xFFFF  }
0x93: {  	_ =	strace $0x9000004D  }
0x94: {  	s0 =	stileid.u32;
	[bflag:$0x2] =	sbarrier.arrive $0xFFFF  }
0x95: {  	p0 =	sne.s32 s0, $0x0;
	s0 =	rddreg [dreg:$0x2]  }
0x96: {  	s0 =	sadd.s32 @!p0 $0x100000, s0  }
0x97: {  	[sflag:s0] =	ssyncadd.tile.s32 @!p0 $0x1;
	_ =	shalt  }
.Lfunc_end2:
_tile_overlayer_lowered:
.L_overlay_start_2:
0x98: {  	(tag) =	ssettag $0x2  }
0x99: {  	s0 =	rddreg [dreg:$0x0];
	s2 =	stileid.u32  }
0x9a: {  	s1 =	rddreg [dreg:$0x1];
	p0 =	sne.s32 s2, $0x0  }
0x9b: {  	s3 =	rddreg [dreg:$0x2];
	[bflag:$0x3] =	sbarrier.arrive $0xFFFF;
	s2 =	simm.s32 @!p0 $0x1C07  }
0x9c: {  	[timem:s3], [sflag:s2] =	dma.local @!p0 [hbm:s0], s1  }
0x9d: {  	s0 =	simm.s32 @!p0 $0x7  }
0x9e: {  	_ =	swait.ge @!p0 [sflag:s0], s1  }
0x9f: {  	s1 =	ssub.s32 @!p0 $0x0, s1;
	[sflag:s0] =	ssyncset.done @!p0 $0x0  }
0xa0: {  	[sflag:s0] =	ssyncadd.s32 @!p0 s1  }
0xa1: {  	[bflag:$0x3] =	sbarrier.arrive $0xFFFF  }
0xa2: {  	_ =	shalt  }

// kernel: kernel.8.cloned.1.call-start
scs
__scs_entry_jumppad:
0x0: {  	(pc) =	sbr.rel $0x88, $3  }
0x1: {  	(tag) =	ssettag $0x0;
	lr =	simm.s32 $0x1  }
0x2: {  	[smem:$0x3F8F] =	sst lr;
	_ =	strace $0xD0000000  }
0x3: {  	_ = 	snop  }
0x4: {  	_ = 	snop  }
0x5: {  	_ = 	snop  }
0x6: {  	_ = 	snop  }
0x7: {  	_ = 	snop  }
__scs_overlays_trampoline_lowered:
0x8: {  	[smem:$0x3F9E] =	sst s0  }
0x9: {  	[smem:$0x3F9F] =	sst s1  }
0xa: {  	[smem:$0x3FA0] =	sst s2  }
0xb: {  	[smem:$0x3FA1] =	sst s3  }
0xc: {  	[smem:$0x3FA2] =	sst s4  }
0xd: {  	[smem:$0x3FA3] =	sst s5  }
0xe: {  	[smem:$0x3FA4] =	sst s6  }
0xf: {  	[smem:$0x3FA5] =	sst s7  }
0x10: {  	[smem:$0x3FA6] =	sst s8  }
0x11: {  	[smem:$0x3FA7] =	sst s9;
	s0 =	simm.s32 @!p0 $0x0  }
0x12: {  	s1 =	sld [smem:$0x3F8D];
	s0 =	simm.s32 @p0 $0x1  }
0x13: {  	[smem:$0x3FA8] =	sst s0;
	s0 =	simm.s32 @!p1 $0x0  }
0x14: {  	s2 =	sld [smem:$0x3F8C];
	s0 =	simm.s32 @p1 $0x1  }
0x15: {  	[smem:$0x3FA9] =	sst s0;
	s0 =	simm.s32 @!p2 $0x0  }
0x16: {  	s3 =	sld [smem:$0x3FDB];
	s0 =	simm.s32 @p2 $0x1  }
0x17: {  	s4 =	simm.s32 $0x1BF5;
	[smem:$0x3FAB] =	sst s0  }
0x18: {  	s0 =	sld [smem:$0x3F8E];
	_ =	swait.ge [sflag:s4], $0x0  }
0x19: {  	s7 =	sld [smem:$0x3F8F]  }
0x1a: {  	s8 =	sadd.s32 $0xFFFFE003, lr  }
0x1b: {  	s9 =	sadd.s32 $0xFFFFFEF7, lr;
	s5 =	simm.s32 $0xFFFFFFFF;
	p2 =	slt.u32 s8, $0xFFFFF086  }
0x1c: {  	p1 =	slt.u32 s9, $0xF7A;
	s5 =	simm.s32 @!p2 $0x0  }
0x1d: {  	s5 =	simm.s32 @p1 $0x1;
	p0 =	seq.s32 s7, s2  }
0x1e: {  	s7 =	smul.u32 @!p0 $0xF7A, s2;
	p2 =	seq.s32 @!p0 s5, $0x0  }
0x1f: {  	s9 =	smul.u32 $0xF7A, s1;
	s8 =	simm.s32 @!p0 $0x1BF5;
	p2 =	por !p2, p0  }
0x20: {  	[sflag:s8] =	ssyncset.s32 @!p0 $0xFFFFF086;
	s6 =	sadd.s32 @!p0 s3, s7;
	s7 =	simm.s32 @!p0 $0x108  }
0x21: {  	s3 =	sadd.s32 s3, s9;
	s6 =	sadd.s32 @!p0 $0x88, s6;
	s7 =	simm.s32 @p2 $0x1082  }
0x22: {  	[simem:s7], [sflag:s8] =	dma.local @!p0 [hbm:s6], $0xF7A  }
0x23: {  	s9 =	sor.u32 $0xD0000000, s2;
	s6 =	simm.s32 $0x108;
	_ =	swait.ge @!p0 [sflag:s8], $0x0  }
0x24: {  	s3 =	sadd.s32 $0x88, s3;
	s6 =	simm.s32 @!p1 $0x1082;
	[sflag:s4] =	ssyncset.s32 $0xFFFFF086  }
0x25: {  	[simem:s6], [sflag:s4] =	dma.local [hbm:s3], $0xF7A  }
0x26: {  	[smem:$0x3F8F] =	sst s1;
	(tag) =	ssettag s2;
	_ =	strace s9  }
0x27: {  	s1 =	sld [smem:$0x3F9F]  }
0x28: {  	s2 =	sld [smem:$0x3FA0]  }
0x29: {  	s4 =	sld [smem:$0x3FA2]  }
0x2a: {  	p0 =	seq.s32 s5, $0x0;
	s5 =	sld [smem:$0x3FA3]  }
0x2b: {  	s6 =	sld [smem:$0x3FA4]  }
0x2c: {  	s7 =	sld [smem:$0x3FA5]  }
0x2d: {  	s3 =	simm.s32 $0x108;
	s8 =	sld [smem:$0x3FA6]  }
0x2e: {  	s3 =	simm.s32 @!p0 $0x1082;
	s9 =	sld [smem:$0x3FA7]  }
0x2f: {  	lr =	sadd.s32 s0, s3;
	s0 =	sld [smem:$0x3F9E]  }
0x30: {  	s3 =	sld [smem:$0x3FA1]  }
0x31: {  	[smem:$0x3FAA] =	sst s10  }
0x32: {  	s10 =	sld [smem:$0x3FA8];
	_ =	sdelay $0x3  }
0x33: {  	p0 =	seq.s32 s10, $0x1;
	s10 =	sld [smem:$0x3FAA];
	_ =	sdelay $0x3  }
0x34: {  	[smem:$0x3FAA] =	sst s10  }
0x35: {  	s10 =	sld [smem:$0x3FA9];
	_ =	sdelay $0x3  }
0x36: {  	p1 =	seq.s32 s10, $0x1;
	s10 =	sld [smem:$0x3FAA];
	_ =	sdelay $0x3  }
0x37: {  	[smem:$0x3FAA] =	sst s10  }
0x38: {  	s10 =	sld [smem:$0x3FAB]  }
0x39: {  	_ = 	snop;
	(pc) =	sbr.ind lr, $3  }
0x3a: {  	_ = 	snop  }
0x3b: {  	_ = 	snop  }
0x3c: {  	p2 =	seq.s32 s10, $0x1;
	s10 =	sld [smem:$0x3FAA]  }
0x3d: {  	_ =	shalt  }
0x3e: {  	_ =	shalt  }
0x3f: {  	_ =	shalt  }
0x40: {  	_ =	shalt  }
0x41: {  	_ =	shalt  }
0x42: {  	_ =	shalt  }
0x43: {  	_ =	shalt  }
0x44: {  	_ =	shalt  }
0x45: {  	_ =	shalt  }
0x46: {  	_ =	shalt  }
0x47: {  	_ =	shalt  }
0x48: {  	_ =	shalt  }
0x49: {  	_ =	shalt  }
0x4a: {  	_ =	shalt  }
0x4b: {  	_ =	shalt  }
0x4c: {  	_ =	shalt  }
0x4d: {  	_ =	shalt  }
0x4e: {  	_ =	shalt  }
0x4f: {  	_ =	shalt  }
0x50: {  	_ =	shalt  }
0x51: {  	_ =	shalt  }
0x52: {  	_ =	shalt  }
0x53: {  	_ =	shalt  }
0x54: {  	_ =	shalt  }
0x55: {  	_ =	shalt  }
0x56: {  	_ =	shalt  }
0x57: {  	_ =	shalt  }
0x58: {  	_ =	shalt  }
0x59: {  	_ =	shalt  }
0x5a: {  	_ =	shalt  }
0x5b: {  	_ =	shalt  }
0x5c: {  	_ =	shalt  }
0x5d: {  	_ =	shalt  }
0x5e: {  	_ =	shalt  }
0x5f: {  	_ =	shalt  }
0x60: {  	_ =	shalt  }
0x61: {  	_ =	shalt  }
0x62: {  	_ =	shalt  }
0x63: {  	_ =	shalt  }
0x64: {  	_ =	shalt  }
0x65: {  	_ =	shalt  }
0x66: {  	_ =	shalt  }
0x67: {  	_ =	shalt  }
0x68: {  	_ =	shalt  }
0x69: {  	_ =	shalt  }
0x6a: {  	_ =	shalt  }
0x6b: {  	_ =	shalt  }
0x6c: {  	_ =	shalt  }
0x6d: {  	_ =	shalt  }
0x6e: {  	_ =	shalt  }
0x6f: {  	_ =	shalt  }
0x70: {  	_ =	shalt  }
0x71: {  	_ =	shalt  }
0x72: {  	_ =	shalt  }
0x73: {  	_ =	shalt  }
0x74: {  	_ =	shalt  }
0x75: {  	_ =	shalt  }
0x76: {  	_ =	shalt  }
0x77: {  	_ =	shalt  }
0x78: {  	_ =	shalt  }
0x79: {  	_ =	shalt  }
0x7a: {  	_ =	shalt  }
0x7b: {  	_ =	shalt  }
0x7c: {  	_ =	shalt  }
0x7d: {  	_ =	shalt  }
0x7e: {  	_ =	shalt  }
0x7f: {  	_ =	shalt  }
0x80: {  	_ =	shalt  }
0x81: {  	_ =	shalt  }
0x82: {  	_ =	shalt  }
0x83: {  	_ =	shalt  }
0x84: {  	_ =	shalt  }
0x85: {  	_ =	shalt  }
0x86: {  	_ =	shalt  }
0x87: {  	_ =	shalt  }
.Lfunc_end0:
.L_simem_size_0:
called_computation_lowered:
.L_overlay_start_0:
0x88: {  	s2 =	sld [smem:$0x3FD9]  }
0x89: {  	s3 =	sld [smem:$0x3FFE];
	_ =	sdelay $0x1  }
0x8a: {  	s1 =	srdreg.scid  }
0x8b: {  	s0 =	sand.u32 $0x1, s1  }
0x8c: {  	s17 =	sshll.u32 s0, $0xA;
	s2 =	sadd.s32 s3, s2  }
0x8d: {  	s2 =	sadd.s32 s2, s17  }
0x8e: {  	[smem:$0x3FB6] =	sst s2  }
0x8f: {  	_ = 	snop  }
0x90: {  	(tm) =	ssettm $0x1  }
0x91: {  	s18 =	sld [smem:$0x3FFB];
	_ =	sdelay $0x3  }
0x92: {  	_ =	strace s18  }
0x93: {  	s2 =	sld [smem:$0x3FFC];
	_ =	sdelay $0x3  }
0x94: {  	_ =	strace s2  }
0x95: {  	s2 =	sld [smem:$0x3FFD];
	_ =	sdelay $0x3  }
0x96: {  	_ =	strace s2  }
0x97: {  	_ =	strace $0x8FFFFFFF  }
0x98: {  	s19 =	sld [smem:$0x3FDB];
	_ =	sdelay $0x1  }
0x99: {  	s20 =	simm.s32 $_scs_section_size  }
0x9a: {  	s4 =	simm.s32 $_size__tile_overlayer_lowered;
	s5 =	simm.s32 $_tile_overlayer_lowered  }
0x9b: {  	s6 =	simm.s32 $0x1BFF;
	s21 =	sshll.u32 s5, $0x1;
	s3 =	sadd.s32 s20, s19  }
0x9c: {  	s22 =	simm.s32 $0x0;
	s4 =	sshll.u32 s4, $0x1;
	s5 =	sadd.s32 s21, s3  }
0x9d: {  	[timem:s22], [sflag:s6] =	dma.local [hbm:s5], s4  }
0x9e: {  	_ =	swait.ge [sflag:s6], s4  }
0x9f: {  	s4 =	ssub.s32 $0x0, s4;
	[sflag:s6] =	ssyncset.done $0x0  }
0xa0: {  	[sflag:s6] =	ssyncadd.s32 s4;
	_ =	sdelay $0x1  }
0xa1: {  	s23 =	simm.s32 $0x1B8B  }
0xa2: {  	_ =	swait.ge [sflag:s23], $0x1  }
0xa3: {  	[sflag:s23] =	ssyncset.done $0x0  }
0xa4: {  	[sflag:s23] =	ssyncadd.s32 $0xFFFFFFFF  }
0xa5: {  	s4 =	sld [smem:$0x0]  }
0xa6: {  	s5 =	sand.u32 $0xFFFFFFFE, s1  }
0xa7: {  	p0 =	sne.s32 s1, s5  }
0xa8: {  	s5 =	sshll.u32 @p0 s5, $0xE  }
0xa9: {  	s5 =	sadd.s32 @p0 $0x11B8D, s5;
	s6 =	sshll.u32 @p0 s4, $0x11  }
0xaa: {  	s5 =	sor.u32 @p0 s6, s5  }
0xab: {  	[sflag:s5] =	ssyncadd.remote.s32 @p0 $0x1;
	_ =	sdelay $0x1  }
0xac: {  	s5 =	simm.s32 @p0 $0x1B8D  }
0xad: {  	_ =	swait.eq @p0 [sflag:s5], $0x1  }
0xae: {  	[sflag:s5] =	ssyncadd.s32 @p0 $0xFFFFFFFF  }
0xaf: {  	s6 =	sshll.u32 @!p0 s1, $0xE  }
0xb0: {  	s6 =	sor.u32 @!p0 $0x4000, s6;
	s5 =	simm.s32 @!p0 $0x1B8D  }
0xb1: {  	s4 =	sshll.u32 @!p0 s4, $0x11;
	s6 =	sadd.s32 @!p0 $0x11B8D, s6;
	_ =	swait.eq @!p0 [sflag:s5], $0x1  }
0xb2: {  	s4 =	sor.u32 @!p0 s4, s6;
	[sflag:s5] =	ssyncadd.s32 @!p0 $0xFFFFFFFF  }
0xb3: {  	s25 =	simm.s32 $0x1B8E;
	s24 =	sld [smem:$0x3FFE];
	[sflag:s4] =	ssyncadd.remote.s32 @!p0 $0x1  }
0xb4: {  	s26 =	simm.s32 $execute0_lowered;
	[smem:$0x3FD2] =	sst s25  }
0xb5: {  	s5 =	sshll.u32 s26, $0x1;
	_ =	strace $0x80000049;
	[dreg:$0x1] =	wrdreg $0xFFFFFFFF  }
0xb6: {  	s28 =	simm.s32 $_size_execute0_lowered;
	s3 =	sadd.s32 s3, s5;
	[dreg:$0x0] =	wrdreg $0x0  }
0xb7: {  	s5 =	sshll.u32 s28, $0x1;
	[dreg:$0x2] =	wrdreg s3  }
0xb8: {  	[dreg:$0x3] =	wrdreg s5  }
0xb9: {  	[dreg:$0x4] =	wrdreg $0xC0  }
0xba: {  	_ =	task [dreg:s22], $0x5FFFF  }
0xbb: {  	[dreg:$0x1] =	wrdreg $0xFFFFFFFF  }
0xbc: {  	[dreg:$0x0] =	wrdreg $0x60  }
0xbd: {  	[dreg:$0x2] =	wrdreg s24  }
0xbe: {  	[dreg:$0x3] =	wrdreg $0x41000  }
0xbf: {  	[dreg:$0x4] =	wrdreg $0x9  }
0xc0: {  	_ =	task.clear_ibuf [dreg:s22], $0x5FFFF;
	_ =	strace $0x90000049  }
0xc1: {  	s29 =	simm.s32 $0x9;
	_ =	strace $0x8000004B  }
0xc2: {  	_ =	swait.ge [sflag:s29], $0x1  }
0xc3: {  	[sflag:s29] =	ssyncadd.s32 $0xFFFFFFFF  }
0xc4: {  	_ =	strace $0x9000004B  }
0xc5: {  	_ =	sfence  }
0xc6: {  	s30 =	sld [smem:$0x0];
	_ =	sdelay $0x2  }
0xc7: {  	s31 =	sshll.u32 s1, $0xD;
	s1 =	sshrl.u32 s1, $0x2  }
0xc8: {  	s4 =	sand.u32 $0x4000, s31;
	s1 =	sadd.s32 s1, s30  }
0xc9: {  	s0 =	sor.u32 s4, s0;
	s1 =	sshll.u32 s1, $0x11  }
0xca: {  	s0 =	sor.u32 s1, s0  }
0xcb: {  	s0 =	sadd.s32 $0x8F2B, s0  }
0xcc: {  	[sflag:s0] =	ssyncadd.remote.s32 $0x1  }
0xcd: {  	_ =	sfence.sel $0xFFFF  }
0xce: {  	[dreg:$0x0] =	wrdreg $0xFFFFFFFF;
	(pc) =	sbr.abs _section_cstart, $3  }
0xcf: {  	[dreg:$0x1] =	wrdreg $0xFFFFFFFF  }
0xd0: {  	_ =	task.clear_ibuf [dreg:s22], $0x2FFFF;
	_ =	strace $0x9FFFFFFF  }
0xd1: {  	(tm) =	ssettm $0x7FFFFFFF  }
tec
execute0_lowered:
.L_overlay_start_1:
0x0: {  	(tag) =	ssettag $0x1  }
0x1: {  	s6 =	rddreg [dreg:$0x0]  }
0x2: {  	s1 =	rddreg [dreg:$0x1]  }
0x3: {  	s2 =	srdreg.scid;
	s0 =	rddreg [dreg:$0x2]  }
0x4: {  	s3 =	simm.s32 $0x0;
	s8 =	sand.u32 $0x1, s2;
	s2 =	stileid.u32  }
0x5: {  	s18 =	simm.s32 $0x1;
	s19 =	simm.s32 $0x2;
	s9 =	smul.u32 $0x4F000, s2  }
0x6: {  	s20 =	simm.s32 $0x3;
	s21 =	simm.s32 $0x4;
	s11 =	smul.u32 $0x4E000, s2  }
0x7: {  	[smem:$0x7FF] =	sst s3;
	s13 =	sadd.s32 $0x65A00, s6;
	s14 =	smul.u32 $0x27100, s8  }
0x8: {  	s5 =	sadd.s32 $0xCA400, s6;
	s10 =	sadd.s32 $0xCAC00, s6;
	s25 =	smul.u32 $0x2700, s2  }
0x9: {  	s23 =	sadd.s32 $0x138000, s1;
	s4 =	sshll.u32 s8, $0x4;
	s16 =	smul.u32 $0x138800, s8  }
0xa: {  	_ =	strace $0x8000004A;
	s24 =	ssub.s32 $0x2, s8;
	s17 =	smul.u32 $0x50000, s8  }
0xb: {  	s26 =	sshll.u32 s2, $0x6;
	s28 =	smul.u32 $0x5000, s2;
	p0 =	sne.s32 s2, $0xF  }
0xc: {  	s4 =	sor.u32 s2, s4;
	s12 =	sshrl.u32 s24, $0x1;
	s23 =	sshrl.u32 @!p0 s23, $0x3  }
0xd: {  	s7 =	smul.u32 $0x5000, s4;
	s4 =	sadd.s32 $0x79A00, s6;
	s9 =	sshrl.u32 s9, $0x2  }
0xe: {  	s12 =	ssub.s32 s24, s12;
	s6 =	sor.u32 $0x1C05, s26;
	s11 =	sshrl.u32 s11, $0x2  }
0xf: {  	s29 =	sshrl.u32 s16, $0x3;
	s16 =	simm.s32 $0x100;
	s24 =	simm.s32 $0x0  }
0x10: {  	s15 =	sadd.s32 s9, s1;
	s9 =	sadd.s32 s25, s14;
	s22 =	sadd.s32 s11, s1  }
0x11: {  	s14 =	sadd.s32 s28, s17;
	s11 =	smax.u32 s12, $0x1;
	s17 =	simm.s32 $0x80  }
0x12: {  	s7 =	sshrl.u32 s7, $0x3;
	s9 =	sadd.s32 s10, s9;
	s10 =	sadd.s32 s10, s29  }
0x13: {  	s30 =	sor.u32 $0x180, s14;
	s14 =	sor.u32 $0x100, s14;
	s22 =	sshrl.u32 s22, $0x3  }
0x14: {  	s7 =	sadd.s32 s13, s7;
	s10 =	sadd.s32 $0x27000, s10;
	s31 =	sshrl.u32 s30, $0x3  }
0x15: {  	s14 =	sshrl.u32 s14, $0x3;
	s8 =	sadd.s32 $0x10, s7;
	s12 =	sadd.s32 s31, s13  }
0x16: {  	s13 =	sadd.s32 s14, s13;
	s14 =	sshrl.u32 s15, $0x3;
	s15 =	simm.s32 $0x5  }
.LBB2_1:
0x17: {  	[spmem:s14], [sflag:s6] =	dma.local [hbm:s4], $0x2780  }
0x18: {  	_ =	swait.ge [sflag:s15], $0x2780  }
0x19: {  	[sflag:s15] =	ssyncset.done $0x0  }
0x1a: {  	[sflag:s15] =	ssyncadd.s32 $0xFFFFD880  }
0x1b: {  	[tilespmem:s16], [sflag:$0x5] =	stream.linear.gather [hbm4b:s5+s3], $0x4000, $0x38;
	[tilespmem:$0x17D00] =	vst v63  }
0x1c: {  	_ =	swait.ge [sflag:s15], $0x4000  }
0x1d: {  	[sflag:s15] =	ssyncset.done $0x0  }
0x1e: {  	[sflag:s15] =	ssyncadd.s32 $0xFFFFC000  }
0x1f: {  	[tilespmem:s3], [sflag:$0x1] =	stream.linear.gather [hbm4b:s7+s3], $0x80, $0x38;
	[tilespmem:$0x17D00] =	vst v63  }
0x20: {  	_ = 	snop  }
0x21: {  	[tilespmem:s17], [sflag:$0x2] =	stream.linear.gather [hbm4b:s8+s3], $0x80, $0x38;
	[tilespmem:$0x17D00] =	vst v63  }
0x22: {  	[bflag:$0x0] =	sbarrier.arrive $0xFFFF  }
0x23: {  	_ =	swait.ge [sflag:s18], $0x80  }
0x24: {  	[sflag:s18] =	ssyncset.done $0x0  }
0x25: {  	[sflag:s18] =	ssyncadd.s32 $0xFFFFFF80  }
0x26: {  	[spmem:s1] =	stream.indirect.scatter.add.f32 [tilespmem:s16], [sflag:$0x3], $0x80, s3, s17, $0xb8;
	[tilespmem:$0x17D00] =	vst v63  }
0x27: {  	_ =	swait.ge [sflag:s19], $0x80  }
0x28: {  	[sflag:s19] =	ssyncset.done $0x0  }
0x29: {  	[sflag:s19] =	ssyncadd.s32 $0xFFFFFF80  }
0x2a: {  	[spmem:s1] =	stream.indirect.scatter.add.f32 [tilespmem:s16], [sflag:$0x4], $0x80, s17, s17, $0xb8;
	[tilespmem:$0x17D00] =	vst v63  }
0x2b: {  	_ =	swait.ge [sflag:s20], $0x4000  }
0x2c: {  	[sflag:s20] =	ssyncset.done $0x0  }
0x2d: {  	s25 =	sadd.s32 $0x0, s13;
	[sflag:s20] =	ssyncadd.s32 $0xFFFFC000  }
0x2e: {  	[tilespmem:s3], [sflag:$0x1] =	stream.linear.gather [hbm4b:s25+s3], $0x80, $0x38;
	[tilespmem:$0x17D00] =	vst v63  }
0x2f: {  	_ =	swait.ge [sflag:s21], $0x4000  }
0x30: {  	[sflag:s21] =	ssyncset.done $0x0  }
0x31: {  	s26 =	sadd.s32 $0x0, s12;
	s25 =	simm.s32 $0x20;
	[sflag:s21] =	ssyncadd.s32 $0xFFFFC000  }
.LBB2_2:
0x32: {  	[tilespmem:s17], [sflag:$0x2] =	stream.linear.gather [hbm4b:s26+s3], $0x80, $0x38;
	[tilespmem:$0x17D00] =	vst v63  }
0x33: {  	s26 =	smov.u32 s25  }
0x34: {  	p1 =	sne.s32 s25, $0x9C0;
	s25 =	sadd.s32 $0x20, s25;
	_ =	swait.ge [sflag:s18], $0x80  }
0x35: {  	[sflag:s18] =	ssyncset.done $0x0  }
0x36: {  	[sflag:s18] =	ssyncadd.s32 $0xFFFFFF80  }
0x37: {  	[spmem:s1] =	stream.indirect.scatter.add.f32 [tilespmem:s16], [sflag:$0x3], $0x80, s3, s17, $0xb8;
	[tilespmem:$0x17D00] =	vst v63  }
0x38: {  	_ =	swait.ge [sflag:s19], $0x80  }
0x39: {  	[sflag:s19] =	ssyncset.done $0x0  }
0x3a: {  	[sflag:s19] =	ssyncadd.s32 $0xFFFFFF80  }
0x3b: {  	[spmem:s1] =	stream.indirect.scatter.add.f32 [tilespmem:s16], [sflag:$0x4], $0x80, s17, s17, $0xb8;
	[tilespmem:$0x17D00] =	vst v63  }
0x3c: {  	_ =	swait.ge [sflag:s20], $0x4000  }
0x3d: {  	[sflag:s20] =	ssyncset.done $0x0  }
.Ltmp0:
0x3e: {  	s28 =	sadd.s32 s26, s13;
	[sflag:s20] =	ssyncadd.s32 $0xFFFFC000;
	(pc) =	sbr.rel @p1 .LBB2_2-.Ltmp0, $4  }
0x3f: {  	[tilespmem:s3], [sflag:$0x1] =	stream.linear.gather [hbm4b:s28+s3], $0x80, $0x38;
	[tilespmem:$0x17D00] =	vst v63  }
0x40: {  	_ =	swait.ge [sflag:s21], $0x4000  }
0x41: {  	[sflag:s21] =	ssyncset.done $0x0  }
0x42: {  	s26 =	sadd.s32 s26, s12;
	[sflag:s21] =	ssyncadd.s32 $0xFFFFC000  }
0x43: {  	[tilespmem:s17], [sflag:$0x2] =	stream.linear.gather [hbm4b:s26+s3], $0x80, $0x38;
	[tilespmem:$0x17D00] =	vst v63  }
0x44: {  	_ =	swait.ge [sflag:s18], $0x80  }
0x45: {  	[sflag:s18] =	ssyncset.done $0x0  }
0x46: {  	[sflag:s18] =	ssyncadd.s32 $0xFFFFFF80  }
0x47: {  	[spmem:s1] =	stream.indirect.scatter.add.f32 [tilespmem:s16], [sflag:$0x3], $0x80, s3, s17, $0xb8;
	[tilespmem:$0x17D00] =	vst v63  }
0x48: {  	_ =	swait.ge [sflag:s19], $0x80  }
0x49: {  	[sflag:s19] =	ssyncset.done $0x0  }
0x4a: {  	[sflag:s19] =	ssyncadd.s32 $0xFFFFFF80  }
0x4b: {  	[spmem:s1] =	stream.indirect.scatter.add.f32 [tilespmem:s16], [sflag:$0x4], $0x80, s17, s17, $0xb8;
	[tilespmem:$0x17D00] =	vst v63  }
0x4c: {  	_ =	swait.ge [sflag:s20], $0x4000  }
0x4d: {  	[sflag:s20] =	ssyncset.done $0x0  }
0x4e: {  	[sflag:s20] =	ssyncadd.s32 $0xFFFFC000  }
0x4f: {  	_ =	swait.ge [sflag:s21], $0x4000  }
0x50: {  	[sflag:s21] =	ssyncset.done $0x0  }
0x51: {  	[sflag:s21] =	ssyncadd.s32 $0xFFFFC000  }
0x52: {  	[bflag:$0x0] =	sbarrier.arrive $0xFFFF  }
0x53: {  	[hbm:s9], [sflag:s6] =	dma.local [spmem:s22], $0x2700  }
0x54: {  	s24 =	sadd.s32 $0x1, s24;
	_ =	swait.ge [sflag:s15], $0x2700  }
0x55: {  	p1 =	sne.s32 s24, s11;
	[sflag:s15] =	ssyncset.done $0x0  }
.Ltmp1:
0x56: {  	s25 =	simm.s32 @!p0 $0x5;
	[sflag:s15] =	ssyncadd.s32 $0xFFFFD900;
	(pc) =	sbr.rel @p1 .LBB2_1-.Ltmp1, $4  }
0x57: {  	[hbm:s10], [sflag:s6] =	dma.local @!p0 [spmem:s23], $0x100  }
0x58: {  	_ =	swait.ge @!p0 [sflag:s25], $0x100  }
0x59: {  	[sflag:s25] =	ssyncset.done @!p0 $0x0  }
0x5a: {  	[sflag:s25] =	ssyncadd.s32 @!p0 $0xFFFFFF00  }
0x5b: {  	_ =	sfence.sel $0x180000  }
0x5c: {  	[bflag:$0x0] =	sbarrier.arrive $0xFFFF  }
0x5d: {  	p0 =	sne.s32 s2, $0x0;
	_ =	strace $0x9000004A  }
0x5e: {  	s0 =	sadd.s32 @!p0 $0x100000, s0;
	[bflag:$0x2] =	sbarrier.arrive $0xFFFF  }
0x5f: {  	[sflag:s0] =	ssyncadd.tile.s32 @!p0 $0x1;
	_ =	shalt  }
.Lfunc_end2:
_tile_overlayer_lowered:
.L_overlay_start_2:
0x60: {  	(tag) =	ssettag $0x2  }
0x61: {  	s0 =	rddreg [dreg:$0x0];
	s2 =	stileid.u32  }
0x62: {  	s1 =	rddreg [dreg:$0x1];
	p0 =	sne.s32 s2, $0x0  }
0x63: {  	s3 =	rddreg [dreg:$0x2];
	[bflag:$0x3] =	sbarrier.arrive $0xFFFF;
	s2 =	simm.s32 @!p0 $0x1C05  }
0x64: {  	[timem:s3], [sflag:s2] =	dma.local @!p0 [hbm:s0], s1  }
0x65: {  	s0 =	simm.s32 @!p0 $0x5  }
0x66: {  	_ =	swait.ge @!p0 [sflag:s0], s1  }
0x67: {  	s1 =	ssub.s32 @!p0 $0x0, s1;
	[sflag:s0] =	ssyncset.done @!p0 $0x0  }
0x68: {  	[sflag:s0] =	ssyncadd.s32 @!p0 s1  }
0x69: {  	[bflag:$0x3] =	sbarrier.arrive $0xFFFF  }
0x6a: {  	_ =	shalt  }

</sc_bundles>
